<compile_context>
chip_gen: v7x
topology: tpu7x:2x2x1
jax: 0.10.2.dev20260603
libtpu: 0.0.44.dev20260713+nightly
codegen_flags: <defaults>
</compile_context>

<pallas_src>
import functools

import jax
import jax.numpy as jnp
from jax import lax
from jax.experimental import pallas as pl
from jax.experimental.pallas import tpu as pltpu
from jax.experimental.pallas import tpu_sc as plsc

_B = 16384
_F = 26
_V = 100000
_D = 32
_N_NUM = 13
_OUT = _F * _D + _N_NUM

_info = plsc.get_sparse_core_info()
_NC, _NS = _info.num_cores, _info.num_subcores
_NW = _NC * _NS
_BPW = _B // _NW
_CHUNK = 128
_NCH = _BPW // _CHUNK


def _sc_gather_concat(flat_idx, num_features, tab128):
  mesh = plsc.VectorSubcoreMesh(core_axis_name="c", subcore_axis_name="s")

  @functools.partial(
      pl.kernel,
      mesh=mesh,
      compiler_params=pltpu.CompilerParams(use_tc_tiling_on_sc=False),
      out_type=jax.ShapeDtypeStruct((_B, _OUT), jnp.float32),
      scratch_types=[
          pltpu.VMEM((_NCH, _CHUNK), jnp.int32),
          pltpu.VMEM((_NCH, _CHUNK), jnp.int32),
          pltpu.VMEM((_BPW, _D), jnp.float32),
          pltpu.VMEM((_BPW, _D), jnp.float32),
          pltpu.SemaphoreType.DMA,
          pltpu.SemaphoreType.DMA,
          pltpu.SemaphoreType.DMA,
          pltpu.SemaphoreType.DMA,
          pltpu.SemaphoreType.DMA,
      ],
  )
  def k(idx_hbm, num_hbm, tab_hbm, out_hbm,
        idx_a, idx_b, rows_a, rows_b, g_a, g_b, i_a, i_b, n_sem):
    tab_flat = tab_hbm
    wid = lax.axis_index("s") * _NC + lax.axis_index("c")
    b0 = wid * _BPW
    w0 = wid * _NCH

    num_cp = pltpu.async_copy(
        num_hbm.at[pl.ds(b0, _BPW)],
        out_hbm.at[pl.ds(b0, _BPW), pl.ds(_F * _D, _N_NUM)], n_sem)

    def fire(idx_v, rows_v, sem):
      return [
          pltpu.async_copy(
              tab_flat.at[idx_v.at[c]],
              rows_v.at[pl.ds(c * _CHUNK, _CHUNK)], sem)
          for c in range(_NCH)
      ]

    def writeback(rows_v, f):
      pltpu.sync_copy(
          rows_v, out_hbm.at[pl.ds(b0, _BPW), pl.ds(f * _D, _D)])

    pltpu.sync_copy(idx_hbm.at[0, pl.ds(w0, _NCH)], idx_a)
    ga = fire(idx_a, rows_a, g_a)

    def body(i, carry):
      fa = 2 * i
      ib = pltpu.async_copy(idx_hbm.at[fa + 1, pl.ds(w0, _NCH)], idx_b, i_b)
      for cp in ga:
        cp.wait()
      ib.wait()
      gb = fire(idx_b, rows_b, g_b)
      writeback(rows_a, fa)

      @pl.when(i < _F // 2 - 1)
      def _():
        pltpu.async_copy(idx_hbm.at[fa + 2, pl.ds(w0, _NCH)], idx_a, i_a)

      for cp in gb:
        cp.wait()

      @pl.when(i < _F // 2 - 1)
      def _():
        pltpu.make_async_copy(idx_hbm.at[0, pl.ds(w0, _NCH)], idx_a, i_a).wait()
        fire(idx_a, rows_a, g_a)
      writeback(rows_b, fa + 1)
      return carry

    lax.fori_loop(0, _F // 2, body, 0)
    num_cp.wait()

  return k(flat_idx, num_features, tab128)


def kernel(cat_indices, num_features, tables):
  offs = (jnp.arange(_F, dtype=jnp.int32) * _V)[None, :]
  flat_idx = (cat_indices + offs).T.reshape(_F, _B // _CHUNK, _CHUNK)
  tab_flat = tables.reshape(_F * _V, _D)
  return _sc_gather_concat(flat_idx, num_features, tab_flat)

# --- scband reference (transcript-rebuilt; emitter-appended) ---
"""Pipeline reference for scband-batch-handler-model-86775519248605 (READ-ONLY COPY).

The authoritative reference and input builder live on the scoring server;
editing this copy changes nothing except your own understanding.
"""

import jax, jax.numpy as jnp
import numpy as np

B = 16384
F = 26        # number of categorical fields
V = 100000    # cardinality per categorical field
D = 32        # embedding_dim
N_NUM = 13    # number of numeric (continuous) fields


def setup_inputs(seed: int = 0) -> dict:
    key = jax.random.key(seed)
    k1, k2, k3 = jax.random.split(key, 3)
    cat_indices = jax.random.randint(k1, (B, F), 0, V, dtype=jnp.int32)
    num_features = jax.random.normal(k2, (B, N_NUM), dtype=jnp.float32)
    # learned parameters: one embedding table per categorical field, stacked [F, V, D]
    tables = jax.random.normal(k3, (F, V, D), dtype=jnp.float32) * 0.02
    return {"cat_indices": cat_indices, "num_features": num_features, "tables": tables}


def reference(cat_indices, num_features, tables):
    # cat_data = [emb(getter(batch)) for emb, getter in zip(self.embs, self.batch_cat_field_getters)]
    cat_data = [jnp.take(tables[i], cat_indices[:, i], axis=0) for i in range(F)]  # each [B, D]
    # num_data = [getter(batch).unsqueeze(1) for getter in self.batch_num_field_getters]
    num_data = [num_features[:, i][:, None] for i in range(N_NUM)]  # each [B, 1]
    # torch.cat(cat_data + num_data, dim=1)
    return jnp.concatenate(cat_data + num_data, axis=1)  # [B, F*D + N_NUM]

if __name__ == "__main__":
    import jax
    _d = setup_inputs()
    print(jax.jit(kernel)(*tuple(_d.values())))

</pallas_src>

<mosaic_0001>
#map = affine_map<(d0, d1) -> (0, 0, 0)>
#map1 = affine_map<(d0, d1) -> (0, 0)>
module attributes {stable_mosaic.version = 14 : i64} {
  func.func @k(%arg0: i32, %arg1: i32, %arg2: memref<26x128x128xi32, #tpu.memory_space<hbm>>, %arg3: memref<16384x13xf32, #tpu.memory_space<hbm>>, %arg4: memref<2600000x32xf32, #tpu.memory_space<hbm>>, %arg5: memref<16384x845xf32, #tpu.memory_space<hbm>>, %arg6: memref<4x128xi32, #tpu.memory_space<vmem>>, %arg7: memref<4x128xi32, #tpu.memory_space<vmem>>, %arg8: memref<512x32xf32, #tpu.memory_space<vmem>>, %arg9: memref<512x32xf32, #tpu.memory_space<vmem>>, %arg10: memref<!tpu.dma_semaphore, #tpu.memory_space<semaphore_mem>>, %arg11: memref<!tpu.dma_semaphore, #tpu.memory_space<semaphore_mem>>, %arg12: memref<!tpu.dma_semaphore, #tpu.memory_space<semaphore_mem>>, %arg13: memref<!tpu.dma_semaphore, #tpu.memory_space<semaphore_mem>>, %arg14: memref<!tpu.dma_semaphore, #tpu.memory_space<semaphore_mem>>) attributes {dimension_semantics = [#tpu.dimension_semantics<core_parallel>, #tpu.dimension_semantics<subcore_parallel>], iteration_bounds = array<i64: 2, 16>, scalar_prefetch = 0 : i64, scratch_operands = 9 : i64, tpu.core_type = #tpu.core_type<sc_vector_subcore>, window_params = [{transform_indices = #map}, {transform_indices = #map1}, {transform_indices = #map1}, {transform_indices = #map1}]} {
    %mul3A = arith.constant 2 : i32
    %mul3A_0 = arith.muli %arg1, %mul3A : i32
    %add3A = arith.addi %mul3A_0, %arg0 : i32
    %mul3A_1 = arith.constant 512 : i32
    %mul3A_2 = arith.muli %add3A, %mul3A_1 : i32
    %mul3A_3 = arith.constant 4 : i32
    %mul3A_4 = arith.muli %add3A, %mul3A_3 : i32
    %dma_start3A = arith.constant 832 : i32
    %dma_start3A_5 = tpu.memref_slice %arg5[%mul3A_2, %dma_start3A] : memref<16384x845xf32, #tpu.memory_space<hbm>> -> memref<512x13xf32, #tpu.memory_space<hbm>>
    %dma_start3A_6 = arith.constant 0 : i32
    %dma_start3A_7 = tpu.memref_slice %arg3[%mul3A_2, %dma_start3A_6] : memref<16384x13xf32, #tpu.memory_space<hbm>> -> memref<512x13xf32, #tpu.memory_space<hbm>>
    tpu.enqueue_dma source(%dma_start3A_7 : memref<512x13xf32, #tpu.memory_space<hbm>>) target(%dma_start3A_5 : memref<512x13xf32, #tpu.memory_space<hbm>>) target_semaphore(%arg14 : memref<!tpu.dma_semaphore, #tpu.memory_space<semaphore_mem>>)
    %run_scoped3A = arith.constant 0 : i32
    "tpu.region"() ({
      %run_scoped3A_60 = tpu.sem_alloc : memref<!tpu.dma_semaphore, #tpu.memory_space<semaphore_mem>>
      %dma_start3A_61 = arith.constant 0 : i32
      %dma_start3A_62 = tpu.memref_slice %arg2[%run_scoped3A, %mul3A_4, %dma_start3A_61] : memref<26x128x128xi32, #tpu.memory_space<hbm>> -> memref<1x4x128xi32, #tpu.memory_space<hbm>>
      %dma_start3A_63 = tpu.memref_squeeze %dma_start3A_62 : memref<1x4x128xi32, #tpu.memory_space<hbm>> -> memref<4x128xi32, #tpu.memory_space<hbm>>
      %dma_start3A_64 = arith.constant 0 : i32
      %dma_start3A_65 = tpu.memref_slice %arg2[%run_scoped3A, %mul3A_4, %dma_start3A_64] : memref<26x128x128xi32, #tpu.memory_space<hbm>> -> memref<1x4x128xi32, #tpu.memory_space<hbm>>
      %dma_start3A_66 = tpu.memref_squeeze %dma_start3A_65 : memref<1x4x128xi32, #tpu.memory_space<hbm>> -> memref<4x128xi32, #tpu.memory_space<hbm>>
      tpu.enqueue_dma source(%dma_start3A_66 : memref<4x128xi32, #tpu.memory_space<hbm>>) target(%arg6 : memref<4x128xi32, #tpu.memory_space<vmem>>) target_semaphore(%run_scoped3A_60 : memref<!tpu.dma_semaphore, #tpu.memory_space<semaphore_mem>>)
      %dma_wait3A_67 = arith.constant 0 : i32
      %dma_wait3A_68 = tpu.memref_slice %arg2[%run_scoped3A, %mul3A_4, %dma_wait3A_67] : memref<26x128x128xi32, #tpu.memory_space<hbm>> -> memref<1x4x128xi32, #tpu.memory_space<hbm>>
      %dma_wait3A_69 = tpu.memref_squeeze %dma_wait3A_68 : memref<1x4x128xi32, #tpu.memory_space<hbm>> -> memref<4x128xi32, #tpu.memory_space<hbm>>
      %dma_wait3A_70 = arith.constant 0 : i32
      %dma_wait3A_71 = tpu.memref_slice %arg2[%run_scoped3A, %mul3A_4, %dma_wait3A_70] : memref<26x128x128xi32, #tpu.memory_space<hbm>> -> memref<1x4x128xi32, #tpu.memory_space<hbm>>
      %dma_wait3A_72 = tpu.memref_squeeze %dma_wait3A_71 : memref<1x4x128xi32, #tpu.memory_space<hbm>> -> memref<4x128xi32, #tpu.memory_space<hbm>>
      tpu.wait_dma2 semaphore(%run_scoped3A_60 : memref<!tpu.dma_semaphore, #tpu.memory_space<semaphore_mem>>) src(%dma_wait3A_72 : memref<4x128xi32, #tpu.memory_space<hbm>>) dst(%arg6 : memref<4x128xi32, #tpu.memory_space<vmem>>)
      tpu.yield
    }) : () -> ()
    %dma_start3A_8 = arith.constant 0 : i32
    %dma_start3A_9 = arith.constant 0 : i32
    %dma_start3A_10 = arith.constant 0 : i32
    %dma_start3A_11 = tpu.memref_slice %arg8[%dma_start3A_9, %dma_start3A_10] : memref<512x32xf32, #tpu.memory_space<vmem>> -> memref<128x32xf32, #tpu.memory_space<vmem>>
    %dma_start3A_12 = arith.constant 0 : i32
    %dma_start3A_13 = tpu.memref_slice %arg6[%dma_start3A_8, %dma_start3A_12] : memref<4x128xi32, #tpu.memory_space<vmem>> -> memref<1x128xi32, #tpu.memory_space<vmem>>
    %dma_start3A_14 = tpu.memref_squeeze %dma_start3A_13 : memref<1x128xi32, #tpu.memory_space<vmem>> -> memref<128xi32, #tpu.memory_space<vmem>>
    %dma_start3A_15 = arith.constant 0 : i32
    %dma_start3A_16 = arith.constant 0 : i32
    %dma_start3A_17 = tpu.memref_slice %arg4[%dma_start3A_15, %dma_start3A_16] : memref<2600000x32xf32, #tpu.memory_space<hbm>> -> memref<2600000x32xf32, #tpu.memory_space<hbm>>
    tpu.enqueue_indirect_dma source(%dma_start3A_17 : memref<2600000x32xf32, #tpu.memory_space<hbm>>) target(%dma_start3A_11 : memref<128x32xf32, #tpu.memory_space<vmem>>) offsets(%dma_start3A_14 : memref<128xi32, #tpu.memory_space<vmem>>) semaphore(%arg10 : memref<!tpu.dma_semaphore, #tpu.memory_space<semaphore_mem>>)
    %dma_start3A_18 = arith.constant 1 : i32
    %dma_start3A_19 = arith.constant 128 : i32
    %dma_start3A_20 = arith.constant 0 : i32
    %dma_start3A_21 = tpu.memref_slice %arg8[%dma_start3A_19, %dma_start3A_20] : memref<512x32xf32, #tpu.memory_space<vmem>> -> memref<128x32xf32, #tpu.memory_space<vmem>>
    %dma_start3A_22 = arith.constant 0 : i32
    %dma_start3A_23 = tpu.memref_slice %arg6[%dma_start3A_18, %dma_start3A_22] : memref<4x128xi32, #tpu.memory_space<vmem>> -> memref<1x128xi32, #tpu.memory_space<vmem>>
    %dma_start3A_24 = tpu.memref_squeeze %dma_start3A_23 : memref<1x128xi32, #tpu.memory_space<vmem>> -> memref<128xi32, #tpu.memory_space<vmem>>
    %dma_start3A_25 = arith.constant 0 : i32
    %dma_start3A_26 = arith.constant 0 : i32
    %dma_start3A_27 = tpu.memref_slice %arg4[%dma_start3A_25, %dma_start3A_26] : memref<2600000x32xf32, #tpu.memory_space<hbm>> -> memref<2600000x32xf32, #tpu.memory_space<hbm>>
    tpu.enqueue_indirect_dma source(%dma_start3A_27 : memref<2600000x32xf32, #tpu.memory_space<hbm>>) target(%dma_start3A_21 : memref<128x32xf32, #tpu.memory_space<vmem>>) offsets(%dma_start3A_24 : memref<128xi32, #tpu.memory_space<vmem>>) semaphore(%arg10 : memref<!tpu.dma_semaphore, #tpu.memory_space<semaphore_mem>>)
    %dma_start3A_28 = arith.constant 2 : i32
    %dma_start3A_29 = arith.constant 256 : i32
    %dma_start3A_30 = arith.constant 0 : i32
    %dma_start3A_31 = tpu.memref_slice %arg8[%dma_start3A_29, %dma_start3A_30] : memref<512x32xf32, #tpu.memory_space<vmem>> -> memref<128x32xf32, #tpu.memory_space<vmem>>
    %dma_start3A_32 = arith.constant 0 : i32
    %dma_start3A_33 = tpu.memref_slice %arg6[%dma_start3A_28, %dma_start3A_32] : memref<4x128xi32, #tpu.memory_space<vmem>> -> memref<1x128xi32, #tpu.memory_space<vmem>>
    %dma_start3A_34 = tpu.memref_squeeze %dma_start3A_33 : memref<1x128xi32, #tpu.memory_space<vmem>> -> memref<128xi32, #tpu.memory_space<vmem>>
    %dma_start3A_35 = arith.constant 0 : i32
    %dma_start3A_36 = arith.constant 0 : i32
    %dma_start3A_37 = tpu.memref_slice %arg4[%dma_start3A_35, %dma_start3A_36] : memref<2600000x32xf32, #tpu.memory_space<hbm>> -> memref<2600000x32xf32, #tpu.memory_space<hbm>>
    tpu.enqueue_indirect_dma source(%dma_start3A_37 : memref<2600000x32xf32, #tpu.memory_space<hbm>>) target(%dma_start3A_31 : memref<128x32xf32, #tpu.memory_space<vmem>>) offsets(%dma_start3A_34 : memref<128xi32, #tpu.memory_space<vmem>>) semaphore(%arg10 : memref<!tpu.dma_semaphore, #tpu.memory_space<semaphore_mem>>)
    %dma_start3A_38 = arith.constant 3 : i32
    %dma_start3A_39 = arith.constant 384 : i32
    %dma_start3A_40 = arith.constant 0 : i32
    %dma_start3A_41 = tpu.memref_slice %arg8[%dma_start3A_39, %dma_start3A_40] : memref<512x32xf32, #tpu.memory_space<vmem>> -> memref<128x32xf32, #tpu.memory_space<vmem>>
    %dma_start3A_42 = arith.constant 0 : i32
    %dma_start3A_43 = tpu.memref_slice %arg6[%dma_start3A_38, %dma_start3A_42] : memref<4x128xi32, #tpu.memory_space<vmem>> -> memref<1x128xi32, #tpu.memory_space<vmem>>
    %dma_start3A_44 = tpu.memref_squeeze %dma_start3A_43 : memref<1x128xi32, #tpu.memory_space<vmem>> -> memref<128xi32, #tpu.memory_space<vmem>>
    %dma_start3A_45 = arith.constant 0 : i32
    %dma_start3A_46 = arith.constant 0 : i32
    %dma_start3A_47 = tpu.memref_slice %arg4[%dma_start3A_45, %dma_start3A_46] : memref<2600000x32xf32, #tpu.memory_space<hbm>> -> memref<2600000x32xf32, #tpu.memory_space<hbm>>
    tpu.enqueue_indirect_dma source(%dma_start3A_47 : memref<2600000x32xf32, #tpu.memory_space<hbm>>) target(%dma_start3A_41 : memref<128x32xf32, #tpu.memory_space<vmem>>) offsets(%dma_start3A_44 : memref<128xi32, #tpu.memory_space<vmem>>) semaphore(%arg10 : memref<!tpu.dma_semaphore, #tpu.memory_space<semaphore_mem>>)
    %scan3A = arith.constant 0 : i32
    %scan3A_48 = arith.constant 0 : i32
    %scan3A_49 = arith.constant 1 : i32
    %scan3A_50 = arith.constant 2 : i32
    %scan3A_51 = arith.constant 3 : i32
    %scan3A_52 = arith.constant 0 : i32
    %scan3A_53 = arith.constant 13 : i32
    %scan3A_54 = arith.addi %scan3A_52, %scan3A_53 : i32
    %scan3A_55 = arith.constant 1 : i32
    scf.for %scan3A_60 = %scan3A_52 to %scan3A_54 step %scan3A_55  : i32 {
      %mul3A_61 = arith.constant 2 : i32
      %mul3A_62 = arith.muli %mul3A_61, %scan3A_60 : i32
      %add3A_63 = arith.constant 1 : i32
      %add3A_64 = arith.addi %mul3A_62, %add3A_63 : i32
      %dma_start3A_65 = arith.constant 0 : i32
      %dma_start3A_66 = tpu.memref_slice %arg2[%add3A_64, %mul3A_4, %dma_start3A_65] : memref<26x128x128xi32, #tpu.memory_space<hbm>> -> memref<1x4x128xi32, #tpu.memory_space<hbm>>
      %dma_start3A_67 = tpu.memref_squeeze %dma_start3A_66 : memref<1x4x128xi32, #tpu.memory_space<hbm>> -> memref<4x128xi32, #tpu.memory_space<hbm>>
      %dma_start3A_68 = arith.constant 0 : i32
      %dma_start3A_69 = tpu.memref_slice %arg2[%add3A_64, %mul3A_4, %dma_start3A_68] : memref<26x128x128xi32, #tpu.memory_space<hbm>> -> memref<1x4x128xi32, #tpu.memory_space<hbm>>
      %dma_start3A_70 = tpu.memref_squeeze %dma_start3A_69 : memref<1x4x128xi32, #tpu.memory_space<hbm>> -> memref<4x128xi32, #tpu.memory_space<hbm>>
      tpu.enqueue_dma source(%dma_start3A_70 : memref<4x128xi32, #tpu.memory_space<hbm>>) target(%arg7 : memref<4x128xi32, #tpu.memory_space<vmem>>) target_semaphore(%arg13 : memref<!tpu.dma_semaphore, #tpu.memory_space<semaphore_mem>>)
      %dma_wait3A_71 = arith.constant 0 : i32
      %dma_wait3A_72 = arith.constant 0 : i32
      %dma_wait3A_73 = tpu.memref_slice %arg8[%dma_wait3A_71, %dma_wait3A_72] : memref<512x32xf32, #tpu.memory_space<vmem>> -> memref<128x32xf32, #tpu.memory_space<vmem>>
      %dma_wait3A_74 = arith.constant 0 : i32
      %dma_wait3A_75 = tpu.memref_slice %arg6[%scan3A_48, %dma_wait3A_74] : memref<4x128xi32, #tpu.memory_space<vmem>> -> memref<1x128xi32, #tpu.memory_space<vmem>>
      %dma_wait3A_76 = tpu.memref_squeeze %dma_wait3A_75 : memref<1x128xi32, #tpu.memory_space<vmem>> -> memref<128xi32, #tpu.memory_space<vmem>>
      %dma_wait3A_77 = arith.constant 0 : i32
      %dma_wait3A_78 = arith.constant 0 : i32
      %dma_wait3A_79 = tpu.memref_slice %arg4[%dma_wait3A_77, %dma_wait3A_78] : memref<2600000x32xf32, #tpu.memory_space<hbm>> -> memref<2600000x32xf32, #tpu.memory_space<hbm>>
      tpu.wait_indirect_dma semaphore(%arg10 : memref<!tpu.dma_semaphore, #tpu.memory_space<semaphore_mem>>) src(%dma_wait3A_79 : memref<2600000x32xf32, #tpu.memory_space<hbm>>) dst(%dma_wait3A_73 : memref<128x32xf32, #tpu.memory_space<vmem>>)
      %dma_wait3A_80 = arith.constant 128 : i32
      %dma_wait3A_81 = arith.constant 0 : i32
      %dma_wait3A_82 = tpu.memref_slice %arg8[%dma_wait3A_80, %dma_wait3A_81] : memref<512x32xf32, #tpu.memory_space<vmem>> -> memref<128x32xf32, #tpu.memory_space<vmem>>
      %dma_wait3A_83 = arith.constant 0 : i32
      %dma_wait3A_84 = tpu.memref_slice %arg6[%scan3A_49, %dma_wait3A_83] : memref<4x128xi32, #tpu.memory_space<vmem>> -> memref<1x128xi32, #tpu.memory_space<vmem>>
      %dma_wait3A_85 = tpu.memref_squeeze %dma_wait3A_84 : memref<1x128xi32, #tpu.memory_space<vmem>> -> memref<128xi32, #tpu.memory_space<vmem>>
      %dma_wait3A_86 = arith.constant 0 : i32
      %dma_wait3A_87 = arith.constant 0 : i32
      %dma_wait3A_88 = tpu.memref_slice %arg4[%dma_wait3A_86, %dma_wait3A_87] : memref<2600000x32xf32, #tpu.memory_space<hbm>> -> memref<2600000x32xf32, #tpu.memory_space<hbm>>
      tpu.wait_indirect_dma semaphore(%arg10 : memref<!tpu.dma_semaphore, #tpu.memory_space<semaphore_mem>>) src(%dma_wait3A_88 : memref<2600000x32xf32, #tpu.memory_space<hbm>>) dst(%dma_wait3A_82 : memref<128x32xf32, #tpu.memory_space<vmem>>)
      %dma_wait3A_89 = arith.constant 256 : i32
      %dma_wait3A_90 = arith.constant 0 : i32
      %dma_wait3A_91 = tpu.memref_slice %arg8[%dma_wait3A_89, %dma_wait3A_90] : memref<512x32xf32, #tpu.memory_space<vmem>> -> memref<128x32xf32, #tpu.memory_space<vmem>>
      %dma_wait3A_92 = arith.constant 0 : i32
      %dma_wait3A_93 = tpu.memref_slice %arg6[%scan3A_50, %dma_wait3A_92] : memref<4x128xi32, #tpu.memory_space<vmem>> -> memref<1x128xi32, #tpu.memory_space<vmem>>
      %dma_wait3A_94 = tpu.memref_squeeze %dma_wait3A_93 : memref<1x128xi32, #tpu.memory_space<vmem>> -> memref<128xi32, #tpu.memory_space<vmem>>
      %dma_wait3A_95 = arith.constant 0 : i32
      %dma_wait3A_96 = arith.constant 0 : i32
      %dma_wait3A_97 = tpu.memref_slice %arg4[%dma_wait3A_95, %dma_wait3A_96] : memref<2600000x32xf32, #tpu.memory_space<hbm>> -> memref<2600000x32xf32, #tpu.memory_space<hbm>>
      tpu.wait_indirect_dma semaphore(%arg10 : memref<!tpu.dma_semaphore, #tpu.memory_space<semaphore_mem>>) src(%dma_wait3A_97 : memref<2600000x32xf32, #tpu.memory_space<hbm>>) dst(%dma_wait3A_91 : memref<128x32xf32, #tpu.memory_space<vmem>>)
      %dma_wait3A_98 = arith.constant 384 : i32
      %dma_wait3A_99 = arith.constant 0 : i32
      %dma_wait3A_100 = tpu.memref_slice %arg8[%dma_wait3A_98, %dma_wait3A_99] : memref<512x32xf32, #tpu.memory_space<vmem>> -> memref<128x32xf32, #tpu.memory_space<vmem>>
      %dma_wait3A_101 = arith.constant 0 : i32
      %dma_wait3A_102 = tpu.memref_slice %arg6[%scan3A_51, %dma_wait3A_101] : memref<4x128xi32, #tpu.memory_space<vmem>> -> memref<1x128xi32, #tpu.memory_space<vmem>>
      %dma_wait3A_103 = tpu.memref_squeeze %dma_wait3A_102 : memref<1x128xi32, #tpu.memory_space<vmem>> -> memref<128xi32, #tpu.memory_space<vmem>>
      %dma_wait3A_104 = arith.constant 0 : i32
      %dma_wait3A_105 = arith.constant 0 : i32
      %dma_wait3A_106 = tpu.memref_slice %arg4[%dma_wait3A_104, %dma_wait3A_105] : memref<2600000x32xf32, #tpu.memory_space<hbm>> -> memref<2600000x32xf32, #tpu.memory_space<hbm>>
      tpu.wait_indirect_dma semaphore(%arg10 : memref<!tpu.dma_semaphore, #tpu.memory_space<semaphore_mem>>) src(%dma_wait3A_106 : memref<2600000x32xf32, #tpu.memory_space<hbm>>) dst(%dma_wait3A_100 : memref<128x32xf32, #tpu.memory_space<vmem>>)
      %dma_wait3A_107 = arith.constant 0 : i32
      %dma_wait3A_108 = tpu.memref_slice %arg2[%add3A_64, %mul3A_4, %dma_wait3A_107] : memref<26x128x128xi32, #tpu.memory_space<hbm>> -> memref<1x4x128xi32, #tpu.memory_space<hbm>>
      %dma_wait3A_109 = tpu.memref_squeeze %dma_wait3A_108 : memref<1x4x128xi32, #tpu.memory_space<hbm>> -> memref<4x128xi32, #tpu.memory_space<hbm>>
      %dma_wait3A_110 = arith.constant 0 : i32
      %dma_wait3A_111 = tpu.memref_slice %arg2[%add3A_64, %mul3A_4, %dma_wait3A_110] : memref<26x128x128xi32, #tpu.memory_space<hbm>> -> memref<1x4x128xi32, #tpu.memory_space<hbm>>
      %dma_wait3A_112 = tpu.memref_squeeze %dma_wait3A_111 : memref<1x4x128xi32, #tpu.memory_space<hbm>> -> memref<4x128xi32, #tpu.memory_space<hbm>>
      tpu.wait_dma2 semaphore(%arg13 : memref<!tpu.dma_semaphore, #tpu.memory_space<semaphore_mem>>) src(%dma_wait3A_112 : memref<4x128xi32, #tpu.memory_space<hbm>>) dst(%arg7 : memref<4x128xi32, #tpu.memory_space<vmem>>)
      %dma_start3A_113 = arith.constant 0 : i32
      %dma_start3A_114 = arith.constant 0 : i32
      %dma_start3A_115 = arith.constant 0 : i32
      %dma_start3A_116 = tpu.memref_slice %arg9[%dma_start3A_114, %dma_start3A_115] : memref<512x32xf32, #tpu.memory_space<vmem>> -> memref<128x32xf32, #tpu.memory_space<vmem>>
      %dma_start3A_117 = arith.constant 0 : i32
      %dma_start3A_118 = tpu.memref_slice %arg7[%dma_start3A_113, %dma_start3A_117] : memref<4x128xi32, #tpu.memory_space<vmem>> -> memref<1x128xi32, #tpu.memory_space<vmem>>
      %dma_start3A_119 = tpu.memref_squeeze %dma_start3A_118 : memref<1x128xi32, #tpu.memory_space<vmem>> -> memref<128xi32, #tpu.memory_space<vmem>>
      %dma_start3A_120 = arith.constant 0 : i32
      %dma_start3A_121 = arith.constant 0 : i32
      %dma_start3A_122 = tpu.memref_slice %arg4[%dma_start3A_120, %dma_start3A_121] : memref<2600000x32xf32, #tpu.memory_space<hbm>> -> memref<2600000x32xf32, #tpu.memory_space<hbm>>
      tpu.enqueue_indirect_dma source(%dma_start3A_122 : memref<2600000x32xf32, #tpu.memory_space<hbm>>) target(%dma_start3A_116 : memref<128x32xf32, #tpu.memory_space<vmem>>) offsets(%dma_start3A_119 : memref<128xi32, #tpu.memory_space<vmem>>) semaphore(%arg11 : memref<!tpu.dma_semaphore, #tpu.memory_space<semaphore_mem>>)
      %dma_start3A_123 = arith.constant 1 : i32
      %dma_start3A_124 = arith.constant 128 : i32
      %dma_start3A_125 = arith.constant 0 : i32
      %dma_start3A_126 = tpu.memref_slice %arg9[%dma_start3A_124, %dma_start3A_125] : memref<512x32xf32, #tpu.memory_space<vmem>> -> memref<128x32xf32, #tpu.memory_space<vmem>>
      %dma_start3A_127 = arith.constant 0 : i32
      %dma_start3A_128 = tpu.memref_slice %arg7[%dma_start3A_123, %dma_start3A_127] : memref<4x128xi32, #tpu.memory_space<vmem>> -> memref<1x128xi32, #tpu.memory_space<vmem>>
      %dma_start3A_129 = tpu.memref_squeeze %dma_start3A_128 : memref<1x128xi32, #tpu.memory_space<vmem>> -> memref<128xi32, #tpu.memory_space<vmem>>
      %dma_start3A_130 = arith.constant 0 : i32
      %dma_start3A_131 = arith.constant 0 : i32
      %dma_start3A_132 = tpu.memref_slice %arg4[%dma_start3A_130, %dma_start3A_131] : memref<2600000x32xf32, #tpu.memory_space<hbm>> -> memref<2600000x32xf32, #tpu.memory_space<hbm>>
      tpu.enqueue_indirect_dma source(%dma_start3A_132 : memref<2600000x32xf32, #tpu.memory_space<hbm>>) target(%dma_start3A_126 : memref<128x32xf32, #tpu.memory_space<vmem>>) offsets(%dma_start3A_129 : memref<128xi32, #tpu.memory_space<vmem>>) semaphore(%arg11 : memref<!tpu.dma_semaphore, #tpu.memory_space<semaphore_mem>>)
      %dma_start3A_133 = arith.constant 2 : i32
      %dma_start3A_134 = arith.constant 256 : i32
      %dma_start3A_135 = arith.constant 0 : i32
      %dma_start3A_136 = tpu.memref_slice %arg9[%dma_start3A_134, %dma_start3A_135] : memref<512x32xf32, #tpu.memory_space<vmem>> -> memref<128x32xf32, #tpu.memory_space<vmem>>
      %dma_start3A_137 = arith.constant 0 : i32
      %dma_start3A_138 = tpu.memref_slice %arg7[%dma_start3A_133, %dma_start3A_137] : memref<4x128xi32, #tpu.memory_space<vmem>> -> memref<1x128xi32, #tpu.memory_space<vmem>>
      %dma_start3A_139 = tpu.memref_squeeze %dma_start3A_138 : memref<1x128xi32, #tpu.memory_space<vmem>> -> memref<128xi32, #tpu.memory_space<vmem>>
      %dma_start3A_140 = arith.constant 0 : i32
      %dma_start3A_141 = arith.constant 0 : i32
      %dma_start3A_142 = tpu.memref_slice %arg4[%dma_start3A_140, %dma_start3A_141] : memref<2600000x32xf32, #tpu.memory_space<hbm>> -> memref<2600000x32xf32, #tpu.memory_space<hbm>>
      tpu.enqueue_indirect_dma source(%dma_start3A_142 : memref<2600000x32xf32, #tpu.memory_space<hbm>>) target(%dma_start3A_136 : memref<128x32xf32, #tpu.memory_space<vmem>>) offsets(%dma_start3A_139 : memref<128xi32, #tpu.memory_space<vmem>>) semaphore(%arg11 : memref<!tpu.dma_semaphore, #tpu.memory_space<semaphore_mem>>)
      %dma_start3A_143 = arith.constant 3 : i32
      %dma_start3A_144 = arith.constant 384 : i32
      %dma_start3A_145 = arith.constant 0 : i32
      %dma_start3A_146 = tpu.memref_slice %arg9[%dma_start3A_144, %dma_start3A_145] : memref<512x32xf32, #tpu.memory_space<vmem>> -> memref<128x32xf32, #tpu.memory_space<vmem>>
      %dma_start3A_147 = arith.constant 0 : i32
      %dma_start3A_148 = tpu.memref_slice %arg7[%dma_start3A_143, %dma_start3A_147] : memref<4x128xi32, #tpu.memory_space<vmem>> -> memref<1x128xi32, #tpu.memory_space<vmem>>
      %dma_start3A_149 = tpu.memref_squeeze %dma_start3A_148 : memref<1x128xi32, #tpu.memory_space<vmem>> -> memref<128xi32, #tpu.memory_space<vmem>>
      %dma_start3A_150 = arith.constant 0 : i32
      %dma_start3A_151 = arith.constant 0 : i32
      %dma_start3A_152 = tpu.memref_slice %arg4[%dma_start3A_150, %dma_start3A_151] : memref<2600000x32xf32, #tpu.memory_space<hbm>> -> memref<2600000x32xf32, #tpu.memory_space<hbm>>
      tpu.enqueue_indirect_dma source(%dma_start3A_152 : memref<2600000x32xf32, #tpu.memory_space<hbm>>) target(%dma_start3A_146 : memref<128x32xf32, #tpu.memory_space<vmem>>) offsets(%dma_start3A_149 : memref<128xi32, #tpu.memory_space<vmem>>) semaphore(%arg11 : memref<!tpu.dma_semaphore, #tpu.memory_space<semaphore_mem>>)
      %mul3A_153 = arith.constant 32 : i32
      %mul3A_154 = arith.muli %mul3A_62, %mul3A_153 : i32
      "tpu.region"() ({
        %run_scoped3A_206 = tpu.sem_alloc : memref<!tpu.dma_semaphore, #tpu.memory_space<semaphore_mem>>
        %dma_start3A_207 = tpu.memref_slice %arg5[%mul3A_2, %mul3A_154] : memref<16384x845xf32, #tpu.memory_space<hbm>> -> memref<512x32xf32, #tpu.memory_space<hbm>>
        %dma_start3A_208 = tpu.memref_slice %arg5[%mul3A_2, %mul3A_154] : memref<16384x845xf32, #tpu.memory_space<hbm>> -> memref<512x32xf32, #tpu.memory_space<hbm>>
        tpu.enqueue_dma source(%arg8 : memref<512x32xf32, #tpu.memory_space<vmem>>) target(%dma_start3A_208 : memref<512x32xf32, #tpu.memory_space<hbm>>) target_semaphore(%run_scoped3A_206 : memref<!tpu.dma_semaphore, #tpu.memory_space<semaphore_mem>>)
        %dma_wait3A_209 = tpu.memref_slice %arg5[%mul3A_2, %mul3A_154] : memref<16384x845xf32, #tpu.memory_space<hbm>> -> memref<512x32xf32, #tpu.memory_space<hbm>>
        %dma_wait3A_210 = tpu.memref_slice %arg5[%mul3A_2, %mul3A_154] : memref<16384x845xf32, #tpu.memory_space<hbm>> -> memref<512x32xf32, #tpu.memory_space<hbm>>
        tpu.wait_dma2 semaphore(%run_scoped3A_206 : memref<!tpu.dma_semaphore, #tpu.memory_space<semaphore_mem>>) src(%arg8 : memref<512x32xf32, #tpu.memory_space<vmem>>) dst(%dma_wait3A_210 : memref<512x32xf32, #tpu.memory_space<hbm>>)
        tpu.yield
      }) : () -> ()
      %lt3A = arith.constant 12 : i32
      %lt3A_155 = arith.cmpi slt, %scan3A_60, %lt3A : i32
      %convert_element_type3A = arith.extui %lt3A_155 : i1 to i32
      %cond3A = arith.constant 0 : i32
      %cond3A_156 = arith.cmpi ne, %convert_element_type3A, %cond3A : i32
      scf.if %cond3A_156 {
        %add3A_206 = arith.constant 2 : i32
        %add3A_207 = arith.addi %mul3A_62, %add3A_206 : i32
        %dma_start3A_208 = arith.constant 0 : i32
        %dma_start3A_209 = tpu.memref_slice %arg2[%add3A_207, %mul3A_4, %dma_start3A_208] : memref<26x128x128xi32, #tpu.memory_space<hbm>> -> memref<1x4x128xi32, #tpu.memory_space<hbm>>
        %dma_start3A_210 = tpu.memref_squeeze %dma_start3A_209 : memref<1x4x128xi32, #tpu.memory_space<hbm>> -> memref<4x128xi32, #tpu.memory_space<hbm>>
        %dma_start3A_211 = arith.constant 0 : i32
        %dma_start3A_212 = tpu.memref_slice %arg2[%add3A_207, %mul3A_4, %dma_start3A_211] : memref<26x128x128xi32, #tpu.memory_space<hbm>> -> memref<1x4x128xi32, #tpu.memory_space<hbm>>
        %dma_start3A_213 = tpu.memref_squeeze %dma_start3A_212 : memref<1x4x128xi32, #tpu.memory_space<hbm>> -> memref<4x128xi32, #tpu.memory_space<hbm>>
        tpu.enqueue_dma source(%dma_start3A_213 : memref<4x128xi32, #tpu.memory_space<hbm>>) target(%arg6 : memref<4x128xi32, #tpu.memory_space<vmem>>) target_semaphore(%arg12 : memref<!tpu.dma_semaphore, #tpu.memory_space<semaphore_mem>>)
      } else {
      }
      %dma_wait3A_157 = arith.constant 0 : i32
      %dma_wait3A_158 = arith.constant 0 : i32
      %dma_wait3A_159 = arith.constant 0 : i32
      %dma_wait3A_160 = tpu.memref_slice %arg9[%dma_wait3A_158, %dma_wait3A_159] : memref<512x32xf32, #tpu.memory_space<vmem>> -> memref<128x32xf32, #tpu.memory_space<vmem>>
      %dma_wait3A_161 = arith.constant 0 : i32
      %dma_wait3A_162 = tpu.memref_slice %arg7[%dma_wait3A_157, %dma_wait3A_161] : memref<4x128xi32, #tpu.memory_space<vmem>> -> memref<1x128xi32, #tpu.memory_space<vmem>>
      %dma_wait3A_163 = tpu.memref_squeeze %dma_wait3A_162 : memref<1x128xi32, #tpu.memory_space<vmem>> -> memref<128xi32, #tpu.memory_space<vmem>>
      %dma_wait3A_164 = arith.constant 0 : i32
      %dma_wait3A_165 = arith.constant 0 : i32
      %dma_wait3A_166 = tpu.memref_slice %arg4[%dma_wait3A_164, %dma_wait3A_165] : memref<2600000x32xf32, #tpu.memory_space<hbm>> -> memref<2600000x32xf32, #tpu.memory_space<hbm>>
      tpu.wait_indirect_dma semaphore(%arg11 : memref<!tpu.dma_semaphore, #tpu.memory_space<semaphore_mem>>) src(%dma_wait3A_166 : memref<2600000x32xf32, #tpu.memory_space<hbm>>) dst(%dma_wait3A_160 : memref<128x32xf32, #tpu.memory_space<vmem>>)
      %dma_wait3A_167 = arith.constant 1 : i32
      %dma_wait3A_168 = arith.constant 128 : i32
      %dma_wait3A_169 = arith.constant 0 : i32
      %dma_wait3A_170 = tpu.memref_slice %arg9[%dma_wait3A_168, %dma_wait3A_169] : memref<512x32xf32, #tpu.memory_space<vmem>> -> memref<128x32xf32, #tpu.memory_space<vmem>>
      %dma_wait3A_171 = arith.constant 0 : i32
      %dma_wait3A_172 = tpu.memref_slice %arg7[%dma_wait3A_167, %dma_wait3A_171] : memref<4x128xi32, #tpu.memory_space<vmem>> -> memref<1x128xi32, #tpu.memory_space<vmem>>
      %dma_wait3A_173 = tpu.memref_squeeze %dma_wait3A_172 : memref<1x128xi32, #tpu.memory_space<vmem>> -> memref<128xi32, #tpu.memory_space<vmem>>
      %dma_wait3A_174 = arith.constant 0 : i32
      %dma_wait3A_175 = arith.constant 0 : i32
      %dma_wait3A_176 = tpu.memref_slice %arg4[%dma_wait3A_174, %dma_wait3A_175] : memref<2600000x32xf32, #tpu.memory_space<hbm>> -> memref<2600000x32xf32, #tpu.memory_space<hbm>>
      tpu.wait_indirect_dma semaphore(%arg11 : memref<!tpu.dma_semaphore, #tpu.memory_space<semaphore_mem>>) src(%dma_wait3A_176 : memref<2600000x32xf32, #tpu.memory_space<hbm>>) dst(%dma_wait3A_170 : memref<128x32xf32, #tpu.memory_space<vmem>>)
      %dma_wait3A_177 = arith.constant 2 : i32
      %dma_wait3A_178 = arith.constant 256 : i32
      %dma_wait3A_179 = arith.constant 0 : i32
      %dma_wait3A_180 = tpu.memref_slice %arg9[%dma_wait3A_178, %dma_wait3A_179] : memref<512x32xf32, #tpu.memory_space<vmem>> -> memref<128x32xf32, #tpu.memory_space<vmem>>
      %dma_wait3A_181 = arith.constant 0 : i32
      %dma_wait3A_182 = tpu.memref_slice %arg7[%dma_wait3A_177, %dma_wait3A_181] : memref<4x128xi32, #tpu.memory_space<vmem>> -> memref<1x128xi32, #tpu.memory_space<vmem>>
      %dma_wait3A_183 = tpu.memref_squeeze %dma_wait3A_182 : memref<1x128xi32, #tpu.memory_space<vmem>> -> memref<128xi32, #tpu.memory_space<vmem>>
      %dma_wait3A_184 = arith.constant 0 : i32
      %dma_wait3A_185 = arith.constant 0 : i32
      %dma_wait3A_186 = tpu.memref_slice %arg4[%dma_wait3A_184, %dma_wait3A_185] : memref<2600000x32xf32, #tpu.memory_space<hbm>> -> memref<2600000x32xf32, #tpu.memory_space<hbm>>
      tpu.wait_indirect_dma semaphore(%arg11 : memref<!tpu.dma_semaphore, #tpu.memory_space<semaphore_mem>>) src(%dma_wait3A_186 : memref<2600000x32xf32, #tpu.memory_space<hbm>>) dst(%dma_wait3A_180 : memref<128x32xf32, #tpu.memory_space<vmem>>)
      %dma_wait3A_187 = arith.constant 3 : i32
      %dma_wait3A_188 = arith.constant 384 : i32
      %dma_wait3A_189 = arith.constant 0 : i32
      %dma_wait3A_190 = tpu.memref_slice %arg9[%dma_wait3A_188, %dma_wait3A_189] : memref<512x32xf32, #tpu.memory_space<vmem>> -> memref<128x32xf32, #tpu.memory_space<vmem>>
      %dma_wait3A_191 = arith.constant 0 : i32
      %dma_wait3A_192 = tpu.memref_slice %arg7[%dma_wait3A_187, %dma_wait3A_191] : memref<4x128xi32, #tpu.memory_space<vmem>> -> memref<1x128xi32, #tpu.memory_space<vmem>>
      %dma_wait3A_193 = tpu.memref_squeeze %dma_wait3A_192 : memref<1x128xi32, #tpu.memory_space<vmem>> -> memref<128xi32, #tpu.memory_space<vmem>>
      %dma_wait3A_194 = arith.constant 0 : i32
      %dma_wait3A_195 = arith.constant 0 : i32
      %dma_wait3A_196 = tpu.memref_slice %arg4[%dma_wait3A_194, %dma_wait3A_195] : memref<2600000x32xf32, #tpu.memory_space<hbm>> -> memref<2600000x32xf32, #tpu.memory_space<hbm>>
      tpu.wait_indirect_dma semaphore(%arg11 : memref<!tpu.dma_semaphore, #tpu.memory_space<semaphore_mem>>) src(%dma_wait3A_196 : memref<2600000x32xf32, #tpu.memory_space<hbm>>) dst(%dma_wait3A_190 : memref<128x32xf32, #tpu.memory_space<vmem>>)
      %lt3A_197 = arith.constant 12 : i32
      %lt3A_198 = arith.cmpi slt, %scan3A_60, %lt3A_197 : i32
      %convert_element_type3A_199 = arith.extui %lt3A_198 : i1 to i32
      %cond3A_200 = arith.constant 0 : i32
      %cond3A_201 = arith.cmpi ne, %convert_element_type3A_199, %cond3A_200 : i32
      scf.if %cond3A_201 {
        %dma_wait3A_206 = arith.constant 0 : i32
        %dma_wait3A_207 = arith.constant 0 : i32
        %dma_wait3A_208 = tpu.memref_slice %arg2[%dma_wait3A_206, %mul3A_4, %dma_wait3A_207] : memref<26x128x128xi32, #tpu.memory_space<hbm>> -> memref<1x4x128xi32, #tpu.memory_space<hbm>>
        %dma_wait3A_209 = tpu.memref_squeeze %dma_wait3A_208 : memref<1x4x128xi32, #tpu.memory_space<hbm>> -> memref<4x128xi32, #tpu.memory_space<hbm>>
        %dma_wait3A_210 = arith.constant 0 : i32
        %dma_wait3A_211 = tpu.memref_slice %arg2[%dma_wait3A_206, %mul3A_4, %dma_wait3A_210] : memref<26x128x128xi32, #tpu.memory_space<hbm>> -> memref<1x4x128xi32, #tpu.memory_space<hbm>>
        %dma_wait3A_212 = tpu.memref_squeeze %dma_wait3A_211 : memref<1x4x128xi32, #tpu.memory_space<hbm>> -> memref<4x128xi32, #tpu.memory_space<hbm>>
        tpu.wait_dma2 semaphore(%arg12 : memref<!tpu.dma_semaphore, #tpu.memory_space<semaphore_mem>>) src(%dma_wait3A_212 : memref<4x128xi32, #tpu.memory_space<hbm>>) dst(%arg6 : memref<4x128xi32, #tpu.memory_space<vmem>>)
        %dma_start3A_213 = arith.constant 0 : i32
        %dma_start3A_214 = arith.constant 0 : i32
        %dma_start3A_215 = arith.constant 0 : i32
        %dma_start3A_216 = tpu.memref_slice %arg8[%dma_start3A_214, %dma_start3A_215] : memref<512x32xf32, #tpu.memory_space<vmem>> -> memref<128x32xf32, #tpu.memory_space<vmem>>
        %dma_start3A_217 = arith.constant 0 : i32
        %dma_start3A_218 = tpu.memref_slice %arg6[%dma_start3A_213, %dma_start3A_217] : memref<4x128xi32, #tpu.memory_space<vmem>> -> memref<1x128xi32, #tpu.memory_space<vmem>>
        %dma_start3A_219 = tpu.memref_squeeze %dma_start3A_218 : memref<1x128xi32, #tpu.memory_space<vmem>> -> memref<128xi32, #tpu.memory_space<vmem>>
        %dma_start3A_220 = arith.constant 0 : i32
        %dma_start3A_221 = arith.constant 0 : i32
        %dma_start3A_222 = tpu.memref_slice %arg4[%dma_start3A_220, %dma_start3A_221] : memref<2600000x32xf32, #tpu.memory_space<hbm>> -> memref<2600000x32xf32, #tpu.memory_space<hbm>>
        tpu.enqueue_indirect_dma source(%dma_start3A_222 : memref<2600000x32xf32, #tpu.memory_space<hbm>>) target(%dma_start3A_216 : memref<128x32xf32, #tpu.memory_space<vmem>>) offsets(%dma_start3A_219 : memref<128xi32, #tpu.memory_space<vmem>>) semaphore(%arg10 : memref<!tpu.dma_semaphore, #tpu.memory_space<semaphore_mem>>)
        %dma_start3A_223 = arith.constant 1 : i32
        %dma_start3A_224 = arith.constant 128 : i32
        %dma_start3A_225 = arith.constant 0 : i32
        %dma_start3A_226 = tpu.memref_slice %arg8[%dma_start3A_224, %dma_start3A_225] : memref<512x32xf32, #tpu.memory_space<vmem>> -> memref<128x32xf32, #tpu.memory_space<vmem>>
        %dma_start3A_227 = arith.constant 0 : i32
        %dma_start3A_228 = tpu.memref_slice %arg6[%dma_start3A_223, %dma_start3A_227] : memref<4x128xi32, #tpu.memory_space<vmem>> -> memref<1x128xi32, #tpu.memory_space<vmem>>
        %dma_start3A_229 = tpu.memref_squeeze %dma_start3A_228 : memref<1x128xi32, #tpu.memory_space<vmem>> -> memref<128xi32, #tpu.memory_space<vmem>>
        %dma_start3A_230 = arith.constant 0 : i32
        %dma_start3A_231 = arith.constant 0 : i32
        %dma_start3A_232 = tpu.memref_slice %arg4[%dma_start3A_230, %dma_start3A_231] : memref<2600000x32xf32, #tpu.memory_space<hbm>> -> memref<2600000x32xf32, #tpu.memory_space<hbm>>
        tpu.enqueue_indirect_dma source(%dma_start3A_232 : memref<2600000x32xf32, #tpu.memory_space<hbm>>) target(%dma_start3A_226 : memref<128x32xf32, #tpu.memory_space<vmem>>) offsets(%dma_start3A_229 : memref<128xi32, #tpu.memory_space<vmem>>) semaphore(%arg10 : memref<!tpu.dma_semaphore, #tpu.memory_space<semaphore_mem>>)
        %dma_start3A_233 = arith.constant 2 : i32
        %dma_start3A_234 = arith.constant 256 : i32
        %dma_start3A_235 = arith.constant 0 : i32
        %dma_start3A_236 = tpu.memref_slice %arg8[%dma_start3A_234, %dma_start3A_235] : memref<512x32xf32, #tpu.memory_space<vmem>> -> memref<128x32xf32, #tpu.memory_space<vmem>>
        %dma_start3A_237 = arith.constant 0 : i32
        %dma_start3A_238 = tpu.memref_slice %arg6[%dma_start3A_233, %dma_start3A_237] : memref<4x128xi32, #tpu.memory_space<vmem>> -> memref<1x128xi32, #tpu.memory_space<vmem>>
        %dma_start3A_239 = tpu.memref_squeeze %dma_start3A_238 : memref<1x128xi32, #tpu.memory_space<vmem>> -> memref<128xi32, #tpu.memory_space<vmem>>
        %dma_start3A_240 = arith.constant 0 : i32
        %dma_start3A_241 = arith.constant 0 : i32
        %dma_start3A_242 = tpu.memref_slice %arg4[%dma_start3A_240, %dma_start3A_241] : memref<2600000x32xf32, #tpu.memory_space<hbm>> -> memref<2600000x32xf32, #tpu.memory_space<hbm>>
        tpu.enqueue_indirect_dma source(%dma_start3A_242 : memref<2600000x32xf32, #tpu.memory_space<hbm>>) target(%dma_start3A_236 : memref<128x32xf32, #tpu.memory_space<vmem>>) offsets(%dma_start3A_239 : memref<128xi32, #tpu.memory_space<vmem>>) semaphore(%arg10 : memref<!tpu.dma_semaphore, #tpu.memory_space<semaphore_mem>>)
        %dma_start3A_243 = arith.constant 3 : i32
        %dma_start3A_244 = arith.constant 384 : i32
        %dma_start3A_245 = arith.constant 0 : i32
        %dma_start3A_246 = tpu.memref_slice %arg8[%dma_start3A_244, %dma_start3A_245] : memref<512x32xf32, #tpu.memory_space<vmem>> -> memref<128x32xf32, #tpu.memory_space<vmem>>
        %dma_start3A_247 = arith.constant 0 : i32
        %dma_start3A_248 = tpu.memref_slice %arg6[%dma_start3A_243, %dma_start3A_247] : memref<4x128xi32, #tpu.memory_space<vmem>> -> memref<1x128xi32, #tpu.memory_space<vmem>>
        %dma_start3A_249 = tpu.memref_squeeze %dma_start3A_248 : memref<1x128xi32, #tpu.memory_space<vmem>> -> memref<128xi32, #tpu.memory_space<vmem>>
        %dma_start3A_250 = arith.constant 0 : i32
        %dma_start3A_251 = arith.constant 0 : i32
        %dma_start3A_252 = tpu.memref_slice %arg4[%dma_start3A_250, %dma_start3A_251] : memref<2600000x32xf32, #tpu.memory_space<hbm>> -> memref<2600000x32xf32, #tpu.memory_space<hbm>>
        tpu.enqueue_indirect_dma source(%dma_start3A_252 : memref<2600000x32xf32, #tpu.memory_space<hbm>>) target(%dma_start3A_246 : memref<128x32xf32, #tpu.memory_space<vmem>>) offsets(%dma_start3A_249 : memref<128xi32, #tpu.memory_space<vmem>>) semaphore(%arg10 : memref<!tpu.dma_semaphore, #tpu.memory_space<semaphore_mem>>)
      } else {
      }
      %add3A_202 = arith.constant 1 : i32
      %add3A_203 = arith.addi %mul3A_62, %add3A_202 : i32
      %mul3A_204 = arith.constant 32 : i32
      %mul3A_205 = arith.muli %add3A_203, %mul3A_204 : i32
      "tpu.region"() ({
        %run_scoped3A_206 = tpu.sem_alloc : memref<!tpu.dma_semaphore, #tpu.memory_space<semaphore_mem>>
        %dma_start3A_207 = tpu.memref_slice %arg5[%mul3A_2, %mul3A_205] : memref<16384x845xf32, #tpu.memory_space<hbm>> -> memref<512x32xf32, #tpu.memory_space<hbm>>
        %dma_start3A_208 = tpu.memref_slice %arg5[%mul3A_2, %mul3A_205] : memref<16384x845xf32, #tpu.memory_space<hbm>> -> memref<512x32xf32, #tpu.memory_space<hbm>>
        tpu.enqueue_dma source(%arg9 : memref<512x32xf32, #tpu.memory_space<vmem>>) target(%dma_start3A_208 : memref<512x32xf32, #tpu.memory_space<hbm>>) target_semaphore(%run_scoped3A_206 : memref<!tpu.dma_semaphore, #tpu.memory_space<semaphore_mem>>)
        %dma_wait3A_209 = tpu.memref_slice %arg5[%mul3A_2, %mul3A_205] : memref<16384x845xf32, #tpu.memory_space<hbm>> -> memref<512x32xf32, #tpu.memory_space<hbm>>
        %dma_wait3A_210 = tpu.memref_slice %arg5[%mul3A_2, %mul3A_205] : memref<16384x845xf32, #tpu.memory_space<hbm>> -> memref<512x32xf32, #tpu.memory_space<hbm>>
        tpu.wait_dma2 semaphore(%run_scoped3A_206 : memref<!tpu.dma_semaphore, #tpu.memory_space<semaphore_mem>>) src(%arg9 : memref<512x32xf32, #tpu.memory_space<vmem>>) dst(%dma_wait3A_210 : memref<512x32xf32, #tpu.memory_space<hbm>>)
        tpu.yield
      }) : () -> ()
    }
    %scan3A_56 = arith.constant 13 : i32
    %dma_wait3A = arith.constant 832 : i32
    %dma_wait3A_57 = tpu.memref_slice %arg5[%mul3A_2, %dma_wait3A] : memref<16384x845xf32, #tpu.memory_space<hbm>> -> memref<512x13xf32, #tpu.memory_space<hbm>>
    %dma_wait3A_58 = arith.constant 0 : i32
    %dma_wait3A_59 = tpu.memref_slice %arg3[%mul3A_2, %dma_wait3A_58] : memref<16384x13xf32, #tpu.memory_space<hbm>> -> memref<512x13xf32, #tpu.memory_space<hbm>>
    tpu.wait_dma2 semaphore(%arg14 : memref<!tpu.dma_semaphore, #tpu.memory_space<semaphore_mem>>) src(%dma_wait3A_59 : memref<512x13xf32, #tpu.memory_space<hbm>>) dst(%dma_wait3A_57 : memref<512x13xf32, #tpu.memory_space<hbm>>)
    return
  }
}

</mosaic_0001>

<sc_bundles>
// kernel: kernel.3.cloned.1.call-start
scs
__scs_entry_jumppad:
0x0: {  	(pc) =	sbr.rel $0x88, $3  }
0x1: {  	(tag) =	ssettag $0x0;
	lr =	simm.s32 $0x1  }
0x2: {  	[smem:$0x3F9E] =	sst lr;
	_ =	strace $0xD0000000  }
0x3: {  	_ = 	snop  }
0x4: {  	_ = 	snop  }
0x5: {  	_ = 	snop  }
0x6: {  	_ = 	snop  }
0x7: {  	_ = 	snop  }
__scs_overlays_trampoline_lowered:
0x8: {  	[smem:$0x3FAD] =	sst s0  }
0x9: {  	[smem:$0x3FAE] =	sst s1  }
0xa: {  	[smem:$0x3FAF] =	sst s2  }
0xb: {  	[smem:$0x3FB0] =	sst s3  }
0xc: {  	[smem:$0x3FB1] =	sst s4  }
0xd: {  	[smem:$0x3FB2] =	sst s5  }
0xe: {  	[smem:$0x3FB3] =	sst s6  }
0xf: {  	[smem:$0x3FB4] =	sst s7  }
0x10: {  	[smem:$0x3FB5] =	sst s8  }
0x11: {  	[smem:$0x3FB6] =	sst s9;
	s0 =	simm.s32 @!p0 $0x0  }
0x12: {  	s1 =	sld [smem:$0x3F9C];
	s0 =	simm.s32 @p0 $0x1  }
0x13: {  	[smem:$0x3FB7] =	sst s0;
	s0 =	simm.s32 @!p1 $0x0  }
0x14: {  	s2 =	sld [smem:$0x3F9B];
	s0 =	simm.s32 @p1 $0x1  }
0x15: {  	[smem:$0x3FB8] =	sst s0;
	s0 =	simm.s32 @!p2 $0x0  }
0x16: {  	s3 =	sld [smem:$0x3FDB];
	s0 =	simm.s32 @p2 $0x1  }
0x17: {  	s4 =	simm.s32 $0x1BF5;
	[smem:$0x3FBA] =	sst s0  }
0x18: {  	s0 =	sld [smem:$0x3F9D];
	_ =	swait.ge [sflag:s4], $0x0  }
0x19: {  	s7 =	sld [smem:$0x3F9E]  }
0x1a: {  	s8 =	sadd.s32 $0xFFFFE003, lr  }
0x1b: {  	s9 =	sadd.s32 $0xFFFFFEF7, lr;
	s5 =	simm.s32 $0xFFFFFFFF;
	p2 =	slt.u32 s8, $0xFFFFF086  }
0x1c: {  	p1 =	slt.u32 s9, $0xF7A;
	s5 =	simm.s32 @!p2 $0x0  }
0x1d: {  	s5 =	simm.s32 @p1 $0x1;
	p0 =	seq.s32 s7, s2  }
0x1e: {  	s7 =	smul.u32 @!p0 $0xF7A, s2;
	p2 =	seq.s32 @!p0 s5, $0x0  }
0x1f: {  	s9 =	smul.u32 $0xF7A, s1;
	s8 =	simm.s32 @!p0 $0x1BF5;
	p2 =	por !p2, p0  }
0x20: {  	[sflag:s8] =	ssyncset.s32 @!p0 $0xFFFFF086;
	s6 =	sadd.s32 @!p0 s3, s7;
	s7 =	simm.s32 @!p0 $0x108  }
0x21: {  	s3 =	sadd.s32 s3, s9;
	s6 =	sadd.s32 @!p0 $0x88, s6;
	s7 =	simm.s32 @p2 $0x1082  }
0x22: {  	[simem:s7], [sflag:s8] =	dma.local @!p0 [hbm:s6], $0xF7A  }
0x23: {  	s9 =	sor.u32 $0xD0000000, s2;
	s6 =	simm.s32 $0x108;
	_ =	swait.ge @!p0 [sflag:s8], $0x0  }
0x24: {  	s3 =	sadd.s32 $0x88, s3;
	s6 =	simm.s32 @!p1 $0x1082;
	[sflag:s4] =	ssyncset.s32 $0xFFFFF086  }
0x25: {  	[simem:s6], [sflag:s4] =	dma.local [hbm:s3], $0xF7A  }
0x26: {  	[smem:$0x3F9E] =	sst s1;
	(tag) =	ssettag s2;
	_ =	strace s9  }
0x27: {  	s1 =	sld [smem:$0x3FAE]  }
0x28: {  	s2 =	sld [smem:$0x3FAF]  }
0x29: {  	s4 =	sld [smem:$0x3FB1]  }
0x2a: {  	p0 =	seq.s32 s5, $0x0;
	s5 =	sld [smem:$0x3FB2]  }
0x2b: {  	s6 =	sld [smem:$0x3FB3]  }
0x2c: {  	s7 =	sld [smem:$0x3FB4]  }
0x2d: {  	s3 =	simm.s32 $0x108;
	s8 =	sld [smem:$0x3FB5]  }
0x2e: {  	s3 =	simm.s32 @!p0 $0x1082;
	s9 =	sld [smem:$0x3FB6]  }
0x2f: {  	lr =	sadd.s32 s0, s3;
	s0 =	sld [smem:$0x3FAD]  }
0x30: {  	s3 =	sld [smem:$0x3FB0]  }
0x31: {  	[smem:$0x3FB9] =	sst s10  }
0x32: {  	s10 =	sld [smem:$0x3FB7];
	_ =	sdelay $0x3  }
0x33: {  	p0 =	seq.s32 s10, $0x1;
	s10 =	sld [smem:$0x3FB9];
	_ =	sdelay $0x3  }
0x34: {  	[smem:$0x3FB9] =	sst s10  }
0x35: {  	s10 =	sld [smem:$0x3FB8];
	_ =	sdelay $0x3  }
0x36: {  	p1 =	seq.s32 s10, $0x1;
	s10 =	sld [smem:$0x3FB9];
	_ =	sdelay $0x3  }
0x37: {  	[smem:$0x3FB9] =	sst s10  }
0x38: {  	s10 =	sld [smem:$0x3FBA]  }
0x39: {  	_ = 	snop;
	(pc) =	sbr.ind lr, $3  }
0x3a: {  	_ = 	snop  }
0x3b: {  	_ = 	snop  }
0x3c: {  	p2 =	seq.s32 s10, $0x1;
	s10 =	sld [smem:$0x3FB9]  }
0x3d: {  	_ =	shalt  }
0x3e: {  	_ =	shalt  }
0x3f: {  	_ =	shalt  }
0x40: {  	_ =	shalt  }
0x41: {  	_ =	shalt  }
0x42: {  	_ =	shalt  }
0x43: {  	_ =	shalt  }
0x44: {  	_ =	shalt  }
0x45: {  	_ =	shalt  }
0x46: {  	_ =	shalt  }
0x47: {  	_ =	shalt  }
0x48: {  	_ =	shalt  }
0x49: {  	_ =	shalt  }
0x4a: {  	_ =	shalt  }
0x4b: {  	_ =	shalt  }
0x4c: {  	_ =	shalt  }
0x4d: {  	_ =	shalt  }
0x4e: {  	_ =	shalt  }
0x4f: {  	_ =	shalt  }
0x50: {  	_ =	shalt  }
0x51: {  	_ =	shalt  }
0x52: {  	_ =	shalt  }
0x53: {  	_ =	shalt  }
0x54: {  	_ =	shalt  }
0x55: {  	_ =	shalt  }
0x56: {  	_ =	shalt  }
0x57: {  	_ =	shalt  }
0x58: {  	_ =	shalt  }
0x59: {  	_ =	shalt  }
0x5a: {  	_ =	shalt  }
0x5b: {  	_ =	shalt  }
0x5c: {  	_ =	shalt  }
0x5d: {  	_ =	shalt  }
0x5e: {  	_ =	shalt  }
0x5f: {  	_ =	shalt  }
0x60: {  	_ =	shalt  }
0x61: {  	_ =	shalt  }
0x62: {  	_ =	shalt  }
0x63: {  	_ =	shalt  }
0x64: {  	_ =	shalt  }
0x65: {  	_ =	shalt  }
0x66: {  	_ =	shalt  }
0x67: {  	_ =	shalt  }
0x68: {  	_ =	shalt  }
0x69: {  	_ =	shalt  }
0x6a: {  	_ =	shalt  }
0x6b: {  	_ =	shalt  }
0x6c: {  	_ =	shalt  }
0x6d: {  	_ =	shalt  }
0x6e: {  	_ =	shalt  }
0x6f: {  	_ =	shalt  }
0x70: {  	_ =	shalt  }
0x71: {  	_ =	shalt  }
0x72: {  	_ =	shalt  }
0x73: {  	_ =	shalt  }
0x74: {  	_ =	shalt  }
0x75: {  	_ =	shalt  }
0x76: {  	_ =	shalt  }
0x77: {  	_ =	shalt  }
0x78: {  	_ =	shalt  }
0x79: {  	_ =	shalt  }
0x7a: {  	_ =	shalt  }
0x7b: {  	_ =	shalt  }
0x7c: {  	_ =	shalt  }
0x7d: {  	_ =	shalt  }
0x7e: {  	_ =	shalt  }
0x7f: {  	_ =	shalt  }
0x80: {  	_ =	shalt  }
0x81: {  	_ =	shalt  }
0x82: {  	_ =	shalt  }
0x83: {  	_ =	shalt  }
0x84: {  	_ =	shalt  }
0x85: {  	_ =	shalt  }
0x86: {  	_ =	shalt  }
0x87: {  	_ =	shalt  }
.Lfunc_end0:
.L_simem_size_0:
called_computation.1_lowered:
.L_overlay_start_0:
0x88: {  	s2 =	sld [smem:$0x3FD9]  }
0x89: {  	s3 =	sld [smem:$0x3FFE];
	_ =	sdelay $0x1  }
0x8a: {  	s1 =	srdreg.scid  }
0x8b: {  	s0 =	sand.u32 $0x1, s1  }
0x8c: {  	s17 =	sshll.u32 s0, $0xA;
	s2 =	sadd.s32 s3, s2  }
0x8d: {  	s2 =	sadd.s32 s2, s17  }
0x8e: {  	[smem:$0x3FC5] =	sst s2  }
0x8f: {  	_ = 	snop  }
0x90: {  	s2 =	sld [smem:$0x3FD0];
	(tm) =	ssettm $0x1  }
0x91: {  	s18 =	sld [smem:$0x3FFB];
	_ =	sdelay $0x3  }
0x92: {  	_ =	strace s18  }
0x93: {  	s3 =	sld [smem:$0x3FFC];
	_ =	sdelay $0x3  }
0x94: {  	_ =	strace s3  }
0x95: {  	s3 =	sld [smem:$0x3FFD];
	_ =	sdelay $0x3  }
0x96: {  	_ =	strace s3  }
0x97: {  	_ =	strace $0x8FFFFFFF  }
0x98: {  	s19 =	sld [smem:$0x3FDB];
	_ =	sdelay $0x1  }
0x99: {  	s4 =	simm.s32 $_scs_section_size  }
0x9a: {  	s5 =	simm.s32 $_size__tile_overlayer_lowered;
	s6 =	simm.s32 $_tile_overlayer_lowered  }
0x9b: {  	s22 =	simm.s32 $0x1BFF;
	s21 =	sshll.u32 s6, $0x1;
	s3 =	sadd.s32 s4, s19  }
0x9c: {  	s7 =	simm.s32 $0x0;
	s20 =	sshll.u32 s5, $0x1;
	s5 =	sadd.s32 s21, s3  }
0x9d: {  	[timem:s7], [sflag:s22] =	dma.local [hbm:s5], s20  }
0x9e: {  	_ =	swait.ge [sflag:s22], s20  }
0x9f: {  	s4 =	ssub.s32 $0x0, s20;
	[sflag:s22] =	ssyncset.done $0x0  }
0xa0: {  	[sflag:s22] =	ssyncadd.s32 s4;
	_ =	sdelay $0x1  }
0xa1: {  	s23 =	simm.s32 $0x1B8B  }
0xa2: {  	_ =	swait.ge [sflag:s23], $0x1  }
0xa3: {  	[sflag:s23] =	ssyncset.done $0x0  }
0xa4: {  	s25 =	simm.s32 $0x1B8E;
	s24 =	sld [smem:$0x3FFE];
	[sflag:s23] =	ssyncadd.s32 $0xFFFFFFFF  }
0xa5: {  	s26 =	simm.s32 $execute0_lowered;
	[smem:$0x3FD2] =	sst s25  }
0xa6: {  	s5 =	sshll.u32 s26, $0x1;
	_ =	strace $0x80000046;
	[dreg:$0x1] =	wrdreg $0xFFFFFFFF  }
0xa7: {  	s28 =	simm.s32 $_size_execute0_lowered;
	s3 =	sadd.s32 s3, s5;
	[dreg:$0x0] =	wrdreg $0x0  }
0xa8: {  	s5 =	sshll.u32 s28, $0x1;
	[dreg:$0x2] =	wrdreg s3  }
0xa9: {  	[dreg:$0x3] =	wrdreg s5  }
0xaa: {  	[dreg:$0x4] =	wrdreg $0xC0  }
0xab: {  	_ =	task [dreg:s7], $0x5FFFF  }
0xac: {  	[dreg:$0x1] =	wrdreg $0xFFFFFFFF  }
0xad: {  	[dreg:$0x0] =	wrdreg $0x60  }
0xae: {  	[dreg:$0x2] =	wrdreg s24  }
0xaf: {  	[dreg:$0x3] =	wrdreg s2  }
0xb0: {  	[dreg:$0x4] =	wrdreg $0x9  }
0xb1: {  	_ =	task.clear_ibuf [dreg:s7], $0x5FFFF;
	_ =	strace $0x90000046  }
0xb2: {  	s29 =	simm.s32 $0x9;
	_ =	strace $0x80000048  }
0xb3: {  	_ =	swait.ge [sflag:s29], $0x1  }
0xb4: {  	[sflag:s29] =	ssyncadd.s32 $0xFFFFFFFF  }
0xb5: {  	_ =	strace $0x90000048  }
0xb6: {  	_ =	sfence  }
0xb7: {  	s30 =	sld [smem:$0x0];
	_ =	sdelay $0x2  }
0xb8: {  	s31 =	sshll.u32 s1, $0xD;
	s1 =	sshrl.u32 s1, $0x2  }
0xb9: {  	s3 =	sand.u32 $0x4000, s31;
	s1 =	sadd.s32 s1, s30  }
0xba: {  	s0 =	sor.u32 s3, s0;
	s1 =	sshll.u32 s1, $0x11  }
0xbb: {  	s0 =	sor.u32 s1, s0  }
0xbc: {  	s0 =	sadd.s32 $0x8F2B, s0  }
0xbd: {  	[sflag:s0] =	ssyncadd.remote.s32 $0x1  }
0xbe: {  	_ =	sfence.sel $0xFFFF  }
0xbf: {  	[dreg:$0x0] =	wrdreg $0xFFFFFFFF;
	(pc) =	sbr.abs _section_cstart, $3  }
0xc0: {  	[dreg:$0x1] =	wrdreg $0xFFFFFFFF  }
0xc1: {  	_ =	task.clear_ibuf [dreg:s7], $0x2FFFF;
	_ =	strace $0x9FFFFFFF  }
0xc2: {  	(tm) =	ssettm $0x7FFFFFFF  }
0xc3: {  	_ =	shalt  }
tec
execute0_lowered:
.L_overlay_start_1:
0x0: {  	(tag) =	ssettag $0x1  }
0x1: {  	s0 =	rddreg [dreg:$0x0]  }
0x2: {  	s1 =	rddreg [dreg:$0x1]  }
0x3: {  	s3 =	srdreg.scid;
	s12 =	stileid.u32  }
0x4: {  	s2 =	simm.s32 $0x0;
	s23 =	simm.s32 $0x280;
	s24 =	simm.s32 $0x5400  }
0x5: {  	s25 =	simm.s32 $0x300;
	s26 =	simm.s32 $0x6400;
	s28 =	simm.s32 $0x7400  }
0x6: {  	s29 =	simm.s32 $0x20;
	s30 =	simm.s32 $0x350;
	s31 =	simm.s32 $0x5  }
0x7: {  	s9 =	sand.u32 $0x1, s3;
	s14 =	sshll.u32 s12, $0x1;
	[smem:$0x7FF] =	sst s2  }
0x8: {  	s3 =	sadd.s32 $0x8E00, s0;
	s19 =	sshll.u32 s12, $0x6;
	s20 =	smul.u32 $0xD4000, s12  }
0x9: {  	s12 =	sshll.u32 s12, $0xA;
	s8 =	sor.u32 s9, s14;
	_ =	strace $0x80000047  }
0xa: {  	s6 =	ssub.s32 $0x2, s9;
	s11 =	smul.u32 $0x6A000, s9;
	[dreg:$0x5] =	wrdreg s23  }
0xb: {  	s13 =	sshll.u32 s9, $0x9;
	s14 =	simm.s32 $0x2;
	[dreg:$0x6] =	wrdreg s24  }
0xc: {  	s23 =	simm.s32 $0x200;
	[dreg:$0x7] =	wrdreg s25;
	s24 =	simm.s32 $0x4  }
0xd: {  	[dreg:$0x8] =	wrdreg s26;
	s25 =	simm.s32 $0x4400;
	s26 =	simm.s32 $0x380  }
0xe: {  	s4 =	smul.u32 $0xD400, s8;
	s5 =	sshll.u32 s8, $0xA;
	s15 =	sshrl.u32 s6, $0x1  }
0xf: {  	s8 =	sshll.u32 s8, $0x6;
	s21 =	sor.u32 s13, s12;
	s7 =	sadd.s32 s5, s0  }
0x10: {  	s16 =	ssub.s32 s6, s15;
	s8 =	sadd.s32 s3, s8;
	s11 =	sadd.s32 s11, s20  }
0x11: {  	s15 =	simm.s32 $0x6;
	s10 =	sadd.s32 s4, s1;
	s4 =	sadd.s32 $0x27AD200, s0  }
0x12: {  	s18 =	sadd.s32 $0xE00, s7;
	s7 =	sor.u32 $0x1C05, s19;
	s9 =	smax.u32 s16, $0x1  }
0x13: {  	s22 =	sshrl.u32 s11, $0x3;
	s11 =	sor.u32 $0x20, s11;
	s0 =	sor.u32 $0x4000, s21  }
0x14: {  	s16 =	simm.s32 $0x80;
	s17 =	sadd.s32 $0x68, s10;
	[dreg:$0xa] =	wrdreg s18  }
0x15: {  	s10 =	sor.u32 $0x8000, s21;
	s12 =	sadd.s32 s22, s1;
	[dreg:$0x9] =	wrdreg s17  }
0x16: {  	s11 =	sshrl.u32 s11, $0x3;
	s0 =	sshrl.u32 s0, $0x3;
	[dreg:$0x3] =	wrdreg s12  }
0x17: {  	s1 =	sadd.s32 s11, s1;
	s11 =	sadd.s32 s0, s3;
	s12 =	simm.s32 $0x1  }
0x18: {  	s17 =	simm.s32 $0x400;
	s0 =	simm.s32 $0x0;
	[dreg:$0x4] =	wrdreg s1  }
.LBB2_1:
0x19: {  	s1 =	rddreg [dreg:$0x9]  }
0x1a: {  	s5 =	rddreg [dreg:$0xa];
	s6 =	simm.s32 $0x6A  }
0x1b: {  	[hbm:s1@s6], [sflag:s7] =	dma.strided [hbm:s5@s14], $0x400, s12, $0x2   }
0x1c: {  	[tilespmem:s2], [sflag:$0x6] =	stream.linear.gather [hbm4b:s8+s2], $0x200, $0x38;
	[tilespmem:$0x8400] =	vst v63  }
0x1d: {  	_ =	swait.ge [sflag:s15], $0x200  }
0x1e: {  	[sflag:s15] =	ssyncset.done $0x0  }
0x1f: {  	[sflag:s15] =	ssyncadd.s32 $0xFFFFFE00  }
0x20: {  	[tilespmem:s17], [sflag:$0x1] =	stream.indirect.gather [hbm4b:s4+s16], $0x20, s2, s16, $0xb8;
	[tilespmem:$0x8400] =	vst v63  }
0x21: {  	s18 =	simm.s32 $0x1400  }
0x22: {  	[tilespmem:s18], [sflag:$0x1] =	stream.indirect.gather [hbm4b:s4+s16], $0x20, s16, s16, $0xb8;
	[tilespmem:$0x8400] =	vst v63  }
0x23: {  	s19 =	simm.s32 $0x100;
	s20 =	simm.s32 $0x2400  }
0x24: {  	[tilespmem:s20], [sflag:$0x1] =	stream.indirect.gather [hbm4b:s4+s16], $0x20, s19, s16, $0xb8;
	[tilespmem:$0x8400] =	vst v63  }
0x25: {  	s21 =	simm.s32 $0x180;
	s22 =	simm.s32 $0x3400  }
0x26: {  	[tilespmem:s22], [sflag:$0x1] =	stream.indirect.gather [hbm4b:s4+s16], $0x20, s21, s16, $0xb8;
	[tilespmem:$0x8400] =	vst v63  }
0x27: {  	_ = 	snop  }
0x28: {  	[tilespmem:s23], [sflag:$0x4] =	stream.linear.gather [hbm4b:s11+s2], $0x200, $0x38;
	[tilespmem:$0x8400] =	vst v63  }
0x29: {  	_ =	swait.ge [sflag:s12], $0x1000  }
0x2a: {  	[sflag:s12] =	ssyncset.done $0x0  }
0x2b: {  	[sflag:s12] =	ssyncadd.s32 $0xFFFFF000  }
0x2c: {  	_ =	swait.ge [sflag:s12], $0x1000  }
0x2d: {  	[sflag:s12] =	ssyncset.done $0x0  }
0x2e: {  	[sflag:s12] =	ssyncadd.s32 $0xFFFFF000  }
0x2f: {  	_ =	swait.ge [sflag:s12], $0x1000  }
0x30: {  	[sflag:s12] =	ssyncset.done $0x0  }
0x31: {  	[sflag:s12] =	ssyncadd.s32 $0xFFFFF000  }
0x32: {  	_ =	swait.ge [sflag:s12], $0x1000  }
0x33: {  	[sflag:s12] =	ssyncset.done $0x0  }
0x34: {  	[sflag:s12] =	ssyncadd.s32 $0xFFFFF000  }
0x35: {  	_ =	swait.ge [sflag:s24], $0x200  }
0x36: {  	s6 =	rddreg [dreg:$0x7];
	[sflag:s24] =	ssyncset.done $0x0  }
0x37: {  	s13 =	rddreg [dreg:$0x5];
	[sflag:s24] =	ssyncadd.s32 $0xFFFFFE00  }
0x38: {  	[tilespmem:s25], [sflag:$0x2] =	stream.indirect.gather [hbm4b:s4+s16], $0x20, s23, s16, $0xb8;
	[tilespmem:$0x8400] =	vst v63  }
0x39: {  	s18 =	rddreg [dreg:$0x6]  }
0x3a: {  	[tilespmem:s18], [sflag:$0x2] =	stream.indirect.gather [hbm4b:s4+s16], $0x20, s13, s16, $0xb8;
	[tilespmem:$0x8400] =	vst v63  }
0x3b: {  	s19 =	rddreg [dreg:$0x8]  }
0x3c: {  	[tilespmem:s19], [sflag:$0x2] =	stream.indirect.gather [hbm4b:s4+s16], $0x20, s6, s16, $0xb8;
	[tilespmem:$0x8400] =	vst v63  }
0x3d: {  	s18 =	rddreg [dreg:$0x3]  }
0x3e: {  	[tilespmem:s28], [sflag:$0x2] =	stream.indirect.gather [hbm4b:s4+s16], $0x20, s26, s16, $0xb8;
	[tilespmem:$0x8400] =	vst v63  }
0x3f: {  	s20 =	sadd.s32 $0x0, s18  }
0x40: {  	[hbm4b:s20+s29] =	stream.strided.scatter [tilespmem:s17], [sflag:$0x6], $0x4000, s30, s29, $0x38;
	[tilespmem:$0x8400] =	vst v63  }
0x41: {  	p0 =	por $0x0, $0x0;
	_ =	swait.ge [sflag:s15], $0x4000  }
0x42: {  	s1 =	sshrl.u32 @!p0 s10, $0x3;
	[sflag:s15] =	ssyncset.done $0x0  }
0x43: {  	s1 =	sadd.s32 @!p0 s3, s1;
	s13 =	simm.s32 @!p0 $0x0;
	[sflag:s15] =	ssyncadd.s32 $0xFFFFC000  }
0x44: {  	[tilespmem:s13], [sflag:$0x3] =	stream.linear.gather @!p0 [hbm4b:s1+s13], $0x200, $0x38;
	[tilespmem:$0x8400] =	vst v63  }
0x45: {  	_ =	swait.ge [sflag:s14], $0x1000  }
0x46: {  	[sflag:s14] =	ssyncset.done $0x0  }
0x47: {  	[sflag:s14] =	ssyncadd.s32 $0xFFFFF000  }
0x48: {  	_ =	swait.ge [sflag:s14], $0x1000  }
0x49: {  	[sflag:s14] =	ssyncset.done $0x0  }
0x4a: {  	[sflag:s14] =	ssyncadd.s32 $0xFFFFF000  }
0x4b: {  	_ =	swait.ge [sflag:s14], $0x1000  }
0x4c: {  	[sflag:s14] =	ssyncset.done $0x0  }
0x4d: {  	[sflag:s14] =	ssyncadd.s32 $0xFFFFF000  }
0x4e: {  	_ =	swait.ge [sflag:s14], $0x1000  }
0x4f: {  	[sflag:s14] =	ssyncset.done $0x0  }
0x50: {  	s1 =	simm.s32 @!p0 $0x3;
	[sflag:s14] =	ssyncadd.s32 $0xFFFFF000  }
0x51: {  	_ =	swait.ge @!p0 [sflag:s1], $0x200  }
0x52: {  	[sflag:s1] =	ssyncset.done @!p0 $0x0  }
0x53: {  	s18 =	simm.s32 @!p0 $0x400;
	[sflag:s1] =	ssyncadd.s32 @!p0 $0xFFFFFE00;
	s1 =	simm.s32 @!p0 $0x80  }
0x54: {  	[tilespmem:s18], [sflag:$0x1] =	stream.indirect.gather @!p0 [hbm4b:s4+s1], $0x20, s13, s1, $0xb8;
	[tilespmem:$0x8400] =	vst v63  }
0x55: {  	s13 =	simm.s32 @!p0 $0x1400  }
0x56: {  	[tilespmem:s13], [sflag:$0x1] =	stream.indirect.gather @!p0 [hbm4b:s4+s1], $0x20, s1, s1, $0xb8;
	[tilespmem:$0x8400] =	vst v63  }
0x57: {  	s18 =	simm.s32 @!p0 $0x2400;
	s13 =	simm.s32 @!p0 $0x100  }
0x58: {  	[tilespmem:s18], [sflag:$0x1] =	stream.indirect.gather @!p0 [hbm4b:s4+s1], $0x20, s13, s1, $0xb8;
	[tilespmem:$0x8400] =	vst v63  }
0x59: {  	s21 =	rddreg [dreg:$0x4];
	s13 =	simm.s32 @!p0 $0x180;
	s18 =	simm.s32 @!p0 $0x3400  }
0x5a: {  	[tilespmem:s18], [sflag:$0x1] =	stream.indirect.gather @!p0 [hbm4b:s4+s1], $0x20, s13, s1, $0xb8;
	[tilespmem:$0x8400] =	vst v63  }
0x5b: {  	s22 =	sadd.s32 $0x0, s21;
	s1 =	simm.s32 $0x8  }
0x5c: {  	[hbm4b:s22+s29] =	stream.strided.scatter [tilespmem:s25], [sflag:$0x6], $0x4000, s30, s29, $0x38;
	[tilespmem:$0x8400] =	vst v63  }
0x5d: {  	s13 =	sadd.s32 $0x8000, s10;
	s18 =	sadd.s32 $0x1000, s11;
	_ =	swait.ge [sflag:s15], $0x4000  }
.LBB2_2:
0x5e: {  	[sflag:s15] =	ssyncset.done $0x0  }
0x5f: {  	[sflag:s15] =	ssyncadd.s32 $0xFFFFC000  }
0x60: {  	[tilespmem:s23], [sflag:$0x4] =	stream.linear.gather [hbm4b:s18+s2], $0x200, $0x38;
	[tilespmem:$0x8400] =	vst v63  }
0x61: {  	_ =	swait.ge [sflag:s12], $0x1000  }
0x62: {  	[sflag:s12] =	ssyncset.done $0x0  }
0x63: {  	[sflag:s12] =	ssyncadd.s32 $0xFFFFF000  }
0x64: {  	_ =	swait.ge [sflag:s12], $0x1000  }
0x65: {  	[sflag:s12] =	ssyncset.done $0x0  }
0x66: {  	[sflag:s12] =	ssyncadd.s32 $0xFFFFF000  }
0x67: {  	_ =	swait.ge [sflag:s12], $0x1000  }
0x68: {  	[sflag:s12] =	ssyncset.done $0x0  }
0x69: {  	[sflag:s12] =	ssyncadd.s32 $0xFFFFF000  }
0x6a: {  	_ =	swait.ge [sflag:s12], $0x1000  }
0x6b: {  	[sflag:s12] =	ssyncset.done $0x0  }
0x6c: {  	[sflag:s12] =	ssyncadd.s32 $0xFFFFF000  }
0x6d: {  	_ =	swait.ge [sflag:s24], $0x200  }
0x6e: {  	[sflag:s24] =	ssyncset.done $0x0;
	s21 =	rddreg [dreg:$0x7]  }
0x6f: {  	s22 =	rddreg [dreg:$0x5];
	[sflag:s24] =	ssyncadd.s32 $0xFFFFFE00  }
0x70: {  	[tilespmem:s25], [sflag:$0x2] =	stream.indirect.gather [hbm4b:s4+s16], $0x20, s23, s16, $0xb8;
	[tilespmem:$0x8400] =	vst v63  }
0x71: {  	s5 =	rddreg [dreg:$0x6]  }
0x72: {  	[tilespmem:s5], [sflag:$0x2] =	stream.indirect.gather [hbm4b:s4+s16], $0x20, s22, s16, $0xb8;
	[tilespmem:$0x8400] =	vst v63  }
0x73: {  	s6 =	rddreg [dreg:$0x8]  }
0x74: {  	[tilespmem:s6], [sflag:$0x2] =	stream.indirect.gather [hbm4b:s4+s16], $0x20, s21, s16, $0xb8;
	[tilespmem:$0x8400] =	vst v63  }
0x75: {  	s19 =	smov.u32 s1;
	s22 =	rddreg [dreg:$0x3]  }
0x76: {  	[tilespmem:s28], [sflag:$0x2] =	stream.indirect.gather [hbm4b:s4+s16], $0x20, s26, s16, $0xb8;
	[tilespmem:$0x8400] =	vst v63  }
0x77: {  	s5 =	sadd.s32 s19, s22  }
0x78: {  	[hbm4b:s5+s29] =	stream.strided.scatter [tilespmem:s17], [sflag:$0x6], $0x4000, s30, s29, $0x38;
	[tilespmem:$0x8400] =	vst v63  }
0x79: {  	p1 =	seq.s32 s1, $0x60;
	_ =	swait.ge [sflag:s15], $0x4000  }
0x7a: {  	s20 =	sshrl.u32 @!p1 s13, $0x3;
	[sflag:s15] =	ssyncset.done $0x0  }
0x7b: {  	s6 =	simm.s32 @!p1 $0x0;
	s5 =	sadd.s32 @!p1 s3, s20;
	[sflag:s15] =	ssyncadd.s32 $0xFFFFC000  }
0x7c: {  	[tilespmem:s6], [sflag:$0x3] =	stream.linear.gather @!p1 [hbm4b:s5+s6], $0x200, $0x38;
	[tilespmem:$0x8400] =	vst v63  }
0x7d: {  	_ =	swait.ge [sflag:s14], $0x1000  }
0x7e: {  	[sflag:s14] =	ssyncset.done $0x0  }
0x7f: {  	[sflag:s14] =	ssyncadd.s32 $0xFFFFF000  }
0x80: {  	_ =	swait.ge [sflag:s14], $0x1000  }
0x81: {  	[sflag:s14] =	ssyncset.done $0x0  }
0x82: {  	[sflag:s14] =	ssyncadd.s32 $0xFFFFF000  }
0x83: {  	_ =	swait.ge [sflag:s14], $0x1000  }
0x84: {  	[sflag:s14] =	ssyncset.done $0x0  }
0x85: {  	[sflag:s14] =	ssyncadd.s32 $0xFFFFF000  }
0x86: {  	_ =	swait.ge [sflag:s14], $0x1000  }
0x87: {  	[sflag:s14] =	ssyncset.done $0x0  }
0x88: {  	s5 =	simm.s32 @!p1 $0x3;
	[sflag:s14] =	ssyncadd.s32 $0xFFFFF000  }
0x89: {  	_ =	swait.ge @!p1 [sflag:s5], $0x200  }
0x8a: {  	s1 =	sadd.s32 $0x8, s1;
	[sflag:s5] =	ssyncset.done @!p1 $0x0  }
0x8b: {  	s20 =	simm.s32 @!p1 $0x400;
	[sflag:s5] =	ssyncadd.s32 @!p1 $0xFFFFFE00;
	s5 =	simm.s32 @!p1 $0x80  }
0x8c: {  	[tilespmem:s20], [sflag:$0x1] =	stream.indirect.gather @!p1 [hbm4b:s4+s5], $0x20, s6, s5, $0xb8;
	[tilespmem:$0x8400] =	vst v63  }
0x8d: {  	p0 =	sne.s32 s1, $0x68;
	s21 =	simm.s32 @!p1 $0x1400  }
0x8e: {  	[tilespmem:s21], [sflag:$0x1] =	stream.indirect.gather @!p1 [hbm4b:s4+s5], $0x20, s5, s5, $0xb8;
	[tilespmem:$0x8400] =	vst v63  }
0x8f: {  	s22 =	rddreg [dreg:$0x4];
	s6 =	simm.s32 @!p1 $0x100;
	s20 =	simm.s32 @!p1 $0x2400  }
0x90: {  	[tilespmem:s20], [sflag:$0x1] =	stream.indirect.gather @!p1 [hbm4b:s4+s5], $0x20, s6, s5, $0xb8;
	[tilespmem:$0x8400] =	vst v63  }
.Ltmp0:
0x91: {  	s6 =	simm.s32 @!p1 $0x180;
	s20 =	simm.s32 @!p1 $0x3400;
	(pc) =	sbr.rel @p0 .LBB2_2-.Ltmp0, $4  }
0x92: {  	[tilespmem:s20], [sflag:$0x1] =	stream.indirect.gather @!p1 [hbm4b:s4+s5], $0x20, s6, s5, $0xb8;
	[tilespmem:$0x8400] =	vst v63  }
0x93: {  	s22 =	sadd.s32 s19, s22  }
0x94: {  	[hbm4b:s22+s29] =	stream.strided.scatter [tilespmem:s25], [sflag:$0x6], $0x4000, s30, s29, $0x38;
	[tilespmem:$0x8400] =	vst v63  }
0x95: {  	s13 =	sadd.s32 $0x8000, s13;
	s18 =	sadd.s32 $0x1000, s18;
	_ =	swait.ge [sflag:s15], $0x4000  }
0x96: {  	s0 =	sadd.s32 $0x1, s0  }
0x97: {  	p0 =	sne.s32 s0, s9  }
.Ltmp1:
0x98: {  	[sflag:s15] =	ssyncset.done $0x0;
	(pc) =	sbr.rel @p0 .LBB2_1-.Ltmp1, $4  }
0x99: {  	[sflag:s15] =	ssyncadd.s32 $0xFFFFC000  }
0x9a: {  	_ =	swait.ge [sflag:s31], $0x400  }
0x9b: {  	[sflag:s31] =	ssyncset.done $0x0  }
0x9c: {  	[sflag:s31] =	ssyncadd.s32 $0xFFFFFC00  }
0x9d: {  	_ =	sfence.sel $0x180000  }
0x9e: {  	[bflag:$0x0] =	sbarrier.arrive $0xFFFF  }
0x9f: {  	_ =	strace $0x90000047  }
0xa0: {  	s0 =	stileid.u32;
	[bflag:$0x2] =	sbarrier.arrive $0xFFFF  }
0xa1: {  	p0 =	sne.s32 s0, $0x0;
	s0 =	rddreg [dreg:$0x2]  }
0xa2: {  	s0 =	sadd.s32 @!p0 $0x100000, s0  }
0xa3: {  	[sflag:s0] =	ssyncadd.tile.s32 @!p0 $0x1;
	_ =	shalt  }
.Lfunc_end2:
_tile_overlayer_lowered:
.L_overlay_start_2:
0xa4: {  	(tag) =	ssettag $0x2  }
0xa5: {  	s0 =	rddreg [dreg:$0x0];
	s2 =	stileid.u32  }
0xa6: {  	s1 =	rddreg [dreg:$0x1];
	p0 =	sne.s32 s2, $0x0  }
0xa7: {  	s3 =	rddreg [dreg:$0x2];
	[bflag:$0x3] =	sbarrier.arrive $0xFFFF;
	s2 =	simm.s32 @!p0 $0x1C06  }
0xa8: {  	[timem:s3], [sflag:s2] =	dma.local @!p0 [hbm:s0], s1  }
0xa9: {  	s0 =	simm.s32 @!p0 $0x6  }
0xaa: {  	_ =	swait.ge @!p0 [sflag:s0], s1  }
0xab: {  	s1 =	ssub.s32 @!p0 $0x0, s1;
	[sflag:s0] =	ssyncset.done @!p0 $0x0  }
0xac: {  	[sflag:s0] =	ssyncadd.s32 @!p0 s1  }
0xad: {  	[bflag:$0x3] =	sbarrier.arrive $0xFFFF  }
0xae: {  	_ =	shalt  }

// kernel: sparse-core-data-format-call.cloned.1.call-start
scs
called_computation_lowered:
.L_overlay_start_0:
0x0: {  	s2 =	sld [smem:$0x3FD9]  }
0x1: {  	s3 =	sld [smem:$0x3FFE];
	_ =	sdelay $0x1  }
0x2: {  	s1 =	srdreg.scid  }
0x3: {  	s0 =	sand.u32 $0x1, s1  }
0x4: {  	s18 =	sshll.u32 s0, $0xA;
	s2 =	sadd.s32 s3, s2  }
0x5: {  	s2 =	sadd.s32 s2, s18  }
0x6: {  	[smem:$0x3FC5] =	sst s2  }
0x7: {  	_ = 	snop  }
0x8: {  	s2 =	sld [smem:$0x3FD0];
	(tm) =	ssettm $0x1  }
0x9: {  	s19 =	sld [smem:$0x3FFB];
	_ =	sdelay $0x3  }
0xa: {  	_ =	strace s19  }
0xb: {  	s3 =	sld [smem:$0x3FFC];
	_ =	sdelay $0x3  }
0xc: {  	_ =	strace s3  }
0xd: {  	s3 =	sld [smem:$0x3FFD];
	_ =	sdelay $0x3  }
0xe: {  	_ =	strace s3  }
0xf: {  	_ =	strace $0x8FFFFFFF  }
0x10: {  	s20 =	sld [smem:$0x3FDB];
	_ =	sdelay $0x1  }
0x11: {  	s4 =	simm.s32 $_scs_section_size  }
0x12: {  	s5 =	simm.s32 $_size__tile_overlayer_lowered;
	s6 =	simm.s32 $_tile_overlayer_lowered  }
0x13: {  	s23 =	simm.s32 $0x1BFF;
	s22 =	sshll.u32 s6, $0x1;
	s3 =	sadd.s32 s4, s20  }
0x14: {  	s7 =	simm.s32 $0x0;
	s21 =	sshll.u32 s5, $0x1;
	s5 =	sadd.s32 s22, s3  }
0x15: {  	[timem:s7], [sflag:s23] =	dma.local [hbm:s5], s21  }
0x16: {  	_ =	swait.ge [sflag:s23], s21  }
0x17: {  	s4 =	ssub.s32 $0x0, s21;
	[sflag:s23] =	ssyncset.done $0x0  }
0x18: {  	[sflag:s23] =	ssyncadd.s32 s4;
	_ =	sdelay $0x1  }
0x19: {  	s24 =	simm.s32 $0x1B8B  }
0x1a: {  	_ =	swait.ge [sflag:s24], $0x1  }
0x1b: {  	[sflag:s24] =	ssyncset.done $0x0  }
0x1c: {  	s26 =	simm.s32 $0x1B8E;
	s25 =	sld [smem:$0x3FFE];
	[sflag:s24] =	ssyncadd.s32 $0xFFFFFFFF  }
0x1d: {  	s27 =	simm.s32 $execute0_lowered;
	[smem:$0x3FD2] =	sst s26  }
0x1e: {  	s5 =	sshll.u32 s27, $0x1;
	_ =	strace $0x80000049;
	[dreg:$0x1] =	wrdreg $0xFFFFFFFF  }
0x1f: {  	s28 =	simm.s32 $_size_execute0_lowered;
	s3 =	sadd.s32 s3, s5;
	[dreg:$0x0] =	wrdreg $0x0  }
0x20: {  	s5 =	sshll.u32 s28, $0x1;
	[dreg:$0x2] =	wrdreg s3  }
0x21: {  	[dreg:$0x3] =	wrdreg s5  }
0x22: {  	[dreg:$0x4] =	wrdreg $0xC0  }
0x23: {  	_ =	task [dreg:s7], $0x5FFFF  }
0x24: {  	[dreg:$0x1] =	wrdreg $0xFFFFFFFF  }
0x25: {  	[dreg:$0x0] =	wrdreg $0x60  }
0x26: {  	[dreg:$0x2] =	wrdreg s25  }
0x27: {  	[dreg:$0x3] =	wrdreg s2  }
0x28: {  	[dreg:$0x4] =	wrdreg $0x9  }
0x29: {  	_ =	task.clear_ibuf [dreg:s7], $0x5FFFF;
	_ =	strace $0x90000049  }
0x2a: {  	s29 =	simm.s32 $0x9;
	_ =	strace $0x8000004B  }
0x2b: {  	_ =	swait.ge [sflag:s29], $0x1  }
0x2c: {  	[sflag:s29] =	ssyncadd.s32 $0xFFFFFFFF  }
0x2d: {  	_ =	strace $0x9000004B  }
0x2e: {  	_ =	sfence  }
0x2f: {  	s30 =	sld [smem:$0x0];
	_ =	sdelay $0x2  }
0x30: {  	s31 =	sshll.u32 s1, $0xD;
	s1 =	sshrl.u32 s1, $0x2  }
0x31: {  	s3 =	sand.u32 $0x4000, s31;
	s1 =	sadd.s32 s1, s30  }
0x32: {  	s0 =	sor.u32 s3, s0;
	s1 =	sshll.u32 s1, $0x11  }
0x33: {  	s0 =	sor.u32 s1, s0  }
0x34: {  	s0 =	sadd.s32 $0x8F2B, s0  }
0x35: {  	[sflag:s0] =	ssyncadd.remote.s32 $0x1  }
0x36: {  	_ =	sfence.sel $0xFFFF  }
0x37: {  	[dreg:$0x0] =	wrdreg $0xFFFFFFFF;
	(pc) =	sbr.abs _section_cstart, $3  }
0x38: {  	[dreg:$0x1] =	wrdreg $0xFFFFFFFF  }
0x39: {  	_ =	task.clear_ibuf [dreg:s7], $0x2FFFF;
	_ =	strace $0x9FFFFFFF  }
0x3a: {  	(tm) =	ssettm $0x7FFFFFFF  }
0x3b: {  	_ =	shalt  }
tec
execute0_lowered:
.L_overlay_start_1:
0x0: {  	(tag) =	ssettag $0x1  }
0x1: {  	s0 =	srdreg.scid  }
0x2: {  	s1 =	sshll.u32 s0, $0x4  }
0x3: {  	s6 =	rddreg [dreg:$0x0];
	s0 =	stileid.u32;
	s1 =	sand.u32 $0x10, s1  }
0x4: {  	s3 =	rddreg [dreg:$0x1];
	s1 =	sor.u32 s0, s1  }
0x5: {  	s5 =	simm.s32 $0x1;
	s31 =	simm.s32 $0x2;
	s2 =	sshll.u32 s1, $0x7  }
0x6: {  	s15 =	simm.s32 $0x0;
	s8 =	simm.s32 $0x20000;
	s4 =	ssub.s32 $0x4000, s2  }
0x7: {  	s14 =	simm.s32 $0x0;
	s9 =	simm.s32 $0x0;
	s30 =	sand.u32 $0xF80, s4  }
0x8: {  	s10 =	simm.s32 $0x0;
	s11 =	simm.s32 $0x0;
	p0 =	sne.s32 s30, $0x0  }
.Ltmp0:
0x9: {  	s7 =	sshrl.u32 s4, $0xC;
	s5 =	simm.s32 @!p0 $0x0;
	(pc) =	sbr.rel .LBB1_1-.Ltmp0, $4  }
0xa: {  	s13 =	simm.s32 $0x0;
	s1 =	rddreg [dreg:$0x2];
	s5 =	sadd.s32 s5, s7  }
0xb: {  	_ =	strace $0x8000004A;
	s4 =	simm.s32 $0x1;
	s5 =	smul.u32 $0x7, s5  }
0xc: {  	s6 =	sadd.s32 $0xE00, s6;
	s12 =	smov.u32 s2;
	[sflag:s4] =	ssyncpa.u1 $0x0  }
0xd: {  	[sflag:s31] =	ssyncpa.u1 $0x0;
	p0 =	por $0x0, $0x0;
	s7 =	sadd.s32 $0x1, s5  }
.LBB1_4:
0xe: {  	s20 =	sshra.s32 s20, $0x2  }
0xf: {  	s28 =	sand.u32 $0x78, s10;
	s21 =	sshll.u32 s9, $0xE;
	s22 =	sshll.u32 s10, $0x3  }
0x10: {  	s24 =	sshll.u32 s9, $0x7;
	p1 =	sgt.s32 s9, $0x2D0;
	s30 =	sshra.s32 s9, $0x1F  }
0x11: {  	s26 =	sshra.s32 s10, $0x1F;
	s19 =	sadd.s32 s20, s19;
	s21 =	sand.u32 $0xFFFE0000, s21  }
0x12: {  	v5 =	vld [tilespmem:s17+$0xFFFFFFD0];
	[tilespmem:s18+$0x2040 ss:$0x81] =	vst.msk $0xffff, v4;
	s23 =	sand.u32 $0xFFFFFC00, s22;
	s29 =	sand.u32 $0x380, s24;
	s22 =	sand.u32 $0x3C00, s22  }
0x13: {  	v58 =	vld [tilespmem:s17+$0xFFFFFFE0];
	[tilespmem:s18+$0x2850 ss:$0x81] =	vst.msk $0xffff, v3;
	s21 =	sadd.s32 s23, s21;
	s20 =	sor.u32 s28, s22;
	s22 =	smov.u32 s9  }
0x14: {  	v59 =	vld [tilespmem:s17+$0xFFFFFFF0];
	[tilespmem:s18+$0x3060 ss:$0x81] =	vst.msk $0xffff, v2;
	s24 =	sand.u32 s30, s9;
	s21 =	sshrl.u32 s21, $0xE;
	s22 =	simm.s32 @!p1 $0x2D0  }
0x15: {  	v60 =	vld [tilespmem:s17+$0x0];
	[tilespmem:s18+$0x0 ss:$0x81] =	vst.msk $0xffff, v1;
	p1 =	sgt.s32 s10, $0x3F80;
	s31 =	ssub.s32 s22, s24;
	s22 =	smov.u32 s10  }
0x16: {  	v61 =	vld [tilespmem:s17+$0x10];
	[tilespmem:s19+$0x3870 ss:$0x81] =	vst.msk $0xffff, v0;
	s25 =	smulhi.u32 $0x4D4874, s21;
	s24 =	sand.u32 s26, s10;
	s22 =	simm.s32 @!p1 $0x3F80  }
0x17: {  	v62 =	vld [tilespmem:s17+$0x20];
	s20 =	sor.u32 s29, s20;
	[tilespmem:s19+$0x810 ss:$0x81] =	vst.msk $0xffff, v5;
	s27 =	sadd.s32 $0xFFFFFD30, s31;
	s22 =	ssub.s32 s22, s24  }
0x18: {  	v63 =	vld [tilespmem:s17+$0xFFFFFFC0];
	[tilespmem:s19+$0x1020 ss:$0x81] =	vst.msk $0xffff, v58;
	s18 =	ssub.s32 $0x350, s31;
	s28 =	smul.u32 $0x350, s25;
	s29 =	sadd.s32 $0xFFFFC080, s22  }
0x19: {  	[tilespmem:s19+$0x1830 ss:$0x81] =	vst.msk $0xffff, v59;
	p1 =	sgt.s32 s27, $0x7F;
	s22 =	ssub.s32 $0x4000, s22;
	p2 =	sgt.s32 s29, $0x7F  }
0x1a: {  	s30 =	sand.u32 $0x7, s10;
	[tilespmem:s19+$0x2040 ss:$0x81] =	vst.msk $0xffff, v60;
	s18 =	simm.s32 @p1 $0x0;
	s22 =	simm.s32 @p2 $0x0  }
0x1b: {  	s20 =	sshrl.u32 s20, $0x3;
	[tilespmem:s19+$0x2850 ss:$0x81] =	vst.msk $0xffff, v61;
	s17 =	ssub.s32 s21, s28;
	s18 =	smul.u32 s22, s18  }
0x1c: {  	[tilespmem:s19+$0x3060 ss:$0x81] =	vst.msk $0xffff, v62;
	s20 =	sadd.s32 s3, s20;
	s21 =	sshll.u32 s30, $0x12;
	s17 =	sshll.u32 s17, $0xB  }
0x1d: {  	[tilespmem:s19+$0x0 ss:$0x81] =	vst.msk $0xffff, v63;
	s31 =	sor.u32 $0x400, s21;
	s17 =	sadd.s32 s17, s20;
	s18 =	sand.u32 $0x3FFFFFFF, s18  }
0x1e: {  	[hbm4b:s17+s31] =	stream.strided.scatter [tilespmem:s16], [sflag:$0x2], s18, s8, s31, $0x20;
	[tilespmem:$0x10100] =	vst v63  }
.LBB1_5:
0x1f: {  	p1 =	slt.u32 s13, $0x2  }
0x20: {  	s17 =	smov.u32 s15;
	p2 =	sgt.s32 @!p1 s15, $0x2D0;
	s16 =	sshra.s32 @!p1 s15, $0x1F  }
0x21: {  	p3 =	sgt.s32 @!p1 s14, $0x3F80;
	s18 =	sshra.s32 @!p1 s14, $0x1F;
	p2 =	por !p2, p1  }
0x22: {  	s15 =	sand.u32 @!p1 s16, s15;
	p3 =	por !p3, p1;
	s16 =	smov.u32 s14  }
0x23: {  	s14 =	sand.u32 @!p1 s18, s14;
	s17 =	simm.s32 @p2 $0x2D0;
	s16 =	simm.s32 @p3 $0x3F80  }
0x24: {  	s15 =	ssub.s32 @!p1 s17, s15;
	s14 =	ssub.s32 @!p1 s16, s14  }
0x25: {  	s18 =	smov.u32 s12;
	s16 =	sadd.s32 @!p1 $0xFFFFFD30, s15;
	s17 =	sadd.s32 @!p1 $0xFFFFC080, s14  }
0x26: {  	s15 =	ssub.s32 @!p1 $0x350, s15;
	p2 =	sgt.s32 @!p1 s16, $0x7F;
	p3 =	sgt.s32 @!p1 s17, $0x7F  }
0x27: {  	s14 =	ssub.s32 @!p1 $0x4000, s14;
	p2 =	por !p2, p1;
	p3 =	por !p3, p1  }
0x28: {  	s16 =	sadd.s32 $0x80, s11;
	s15 =	simm.s32 @!p2 $0x0;
	s14 =	simm.s32 @!p3 $0x0  }
0x29: {  	p2 =	sgt.s32 s16, $0x34C;
	s14 =	smul.u32 @!p1 s14, s15;
	s15 =	sadd.s32 $0x1000, s12  }
0x2a: {  	s18 =	smov.u32 @p2 s15  }
0x2b: {  	s16 =	simm.s32 @p2 $0x0;
	p2 =	sgt.s32 s18, $0x3FFF  }
0x2c: {  	s18 =	smov.u32 @p2 s2;
	p2 =	sne.s32 s13, s7  }
.Ltmp1:
0x2d: {  	p0 =	por !p0, !p0;
	s17 =	simm.s32 @!p1 $0x2;
	(pc) =	sbr.rel @!p2 .LBB1_6-.Ltmp1, $4  }
0x2e: {  	s15 =	smov.u32 s9;
	s9 =	smov.u32 s11;
	s14 =	sand.u32 @!p1 $0x3FFFFFFF, s14  }
0x2f: {  	s11 =	smov.u32 s16;
	_ =	swait.ge @!p1 [sflag:s17], s14;
	s19 =	ssub.s32 @!p1 $0x0, s14  }
0x30: {  	s14 =	smov.u32 s10;
	s13 =	sadd.s32 $0x1, s13;
	[sflag:s17] =	ssyncset.done @!p1 $0x0  }
0x31: {  	s10 =	smov.u32 s12;
	s12 =	smov.u32 s18;
	[sflag:s17] =	ssyncadd.s32 @!p1 s19  }
.LBB1_1:
0x32: {  	p1 =	sge.u32 s13, s5  }
0x33: {  	s16 =	sshrl.u32 @!p1 s12, $0x3  }
0x34: {  	s17 =	sshll.u32 @!p1 s11, $0x3;
	s16 =	smul.u32 @!p1 $0x1C00, s16  }
0x35: {  	s18 =	sshll.u32 @!p1 s12, $0x7;
	s17 =	sand.u32 @!p1 $0xFFFFFC00, s17  }
0x36: {  	s16 =	sadd.s32 @!p1 s16, s17;
	s17 =	sand.u32 @!p1 $0x380, s18  }
0x37: {  	s16 =	sor.u32 @!p1 s17, s16  }
0x38: {  	s17 =	sshrl.u32 @!p1 s16, $0x7  }
0x39: {  	s17 =	smulhi.u32 @!p1 $0x24924925, s17;
	_ =	sdelay $0x1  }
0x3a: {  	s18 =	sand.u32 @!p1 $0x7F, s11;
	s19 =	smul.u32 @!p1 $0x380, s17  }
0x3b: {  	s31 =	sadd.s32 $0xFFFFFFFF, s13;
	s16 =	sor.u32 @!p1 s18, s16;
	s18 =	sxor.u32 @!p1 $0xFFFFFFFF, s13  }
0x3c: {  	s18 =	sshll.u32 @!p1 s18, $0xE;
	s17 =	sand.u32 @!p1 $0x3FFF, s17;
	s16 =	ssub.s32 @!p1 s16, s19  }
0x3d: {  	s17 =	smul.u32 @!p1 $0x70, s17;
	s19 =	sshrl.u32 @!p1 s16, $0x3;
	s16 =	sand.u32 @!p1 $0x7, s16  }
0x3e: {  	s18 =	sand.u32 @!p1 $0x4000, s18;
	s19 =	sadd.s32 @!p1 s6, s19;
	s16 =	sshll.u32 @!p1 s16, $0x12  }
0x3f: {  	s17 =	sadd.s32 @!p1 s17, s19;
	s16 =	sor.u32 @!p1 $0x400, s16;
	s19 =	simm.s32 @!p1 $0x1C00  }
0x40: {  	[tilespmem:s18], [sflag:$0x1] =	stream.strided.gather @!p1 [hbm4b:s17+s16], $0x4000, s19, s16, $0x38;
	[tilespmem:$0x10100] =	vst v63  }
0x41: {  	p1 =	sge.u32 s31, s5  }
.Ltmp2:
0x42: {  	_ = 	snop;
	(pc) =	sbr.rel @p1 .LBB1_5-.Ltmp2, $1  }
0x43: {  	_ =	sdelay $0x3  }
0x44: {  	s16 =	simm.s32 $0x1  }
0x45: {  	_ =	swait.ge [sflag:s4], $0x4000;
	s16 =	simm.s32 @!p0 $0x0  }
0x46: {  	[sflag:s4] =	ssyncset.done $0x0;
	s17 =	sshll.u32 s16, $0xE  }
0x47: {  	[sflag:s4] =	ssyncadd.s32 $0xFFFFC000;
	s17 =	sor.u32 $0x40, s17  }
0x48: {  	s16 =	smul.u32 $0x10200, s16;
	v0 =	vld [tilespmem:s17+$0x30]  }
0x49: {  	v1 =	vld [tilespmem:s17+$0xFFFFFFD0]  }
0x4a: {  	s16 =	sshrl.u32 s16, $0x2;
	v5 =	vld [tilespmem:s17+$0xFFFFFFE0]  }
0x4b: {  	v6 =	vld [tilespmem:s17+$0xFFFFFFF0];
	s19 =	sor.u32 $0x8000, s16  }
0x4c: {  	s31 =	sand.u32 $0x1, s13;
	v4 =	vld [tilespmem:s17+$0x0];
	s18 =	sadd.s32 $0x0, s19  }
0x4d: {  	v3 =	vld [tilespmem:s17+$0x10];
	s16 =	smul.u32 $0x10200, s31;
	[tilespmem:s18+$0x3870 ss:$0x81] =	vst.msk $0xffff, v0  }
0x4e: {  	v2 =	vld [tilespmem:s17+$0x20];
	[tilespmem:s18+$0x810 ss:$0x81] =	vst.msk $0xffff, v1  }
0x4f: {  	s16 =	sshrl.u32 s16, $0x2;
	v1 =	vld [tilespmem:s17+$0xFFFFFFC0];
	[tilespmem:s18+$0x1020 ss:$0x81] =	vst.msk $0xffff, v5;
	s17 =	sadd.s32 $0x80, s17  }
0x50: {  	s20 =	simm.s32 $0x4;
	s21 =	simm.s32 $0x8;
	s16 =	sor.u32 $0x8000, s16;
	[tilespmem:s18+$0x1830 ss:$0x81] =	vst.msk $0xffff, v6;
	v0 =	vld [tilespmem:s17+$0x30]  }
.LBB1_3:
0x51: {  	p1 =	sne.s32 s21, $0x1FC;
	v5 =	vld [tilespmem:s17+$0xFFFFFFD0];
	[tilespmem:s18+$0x2040 ss:$0x81] =	vst.msk $0xffff, v4  }
0x52: {  	v6 =	vld [tilespmem:s17+$0xFFFFFFE0];
	[tilespmem:s18+$0x2850 ss:$0x81] =	vst.msk $0xffff, v3  }
0x53: {  	s22 =	sshra.s32 s20, $0x2;
	s20 =	smov.u32 s21;
	v7 =	vld [tilespmem:s17+$0xFFFFFFF0];
	[tilespmem:s18+$0x3060 ss:$0x81] =	vst.msk $0xffff, v2  }
.Ltmp3:
0x54: {  	v4 =	vld [tilespmem:s17+$0x0];
	[tilespmem:s18+$0x0 ss:$0x81] =	vst.msk $0xffff, v1;
	s18 =	sadd.s32 s22, s19;
	(pc) =	sbr.rel @p1 .LBB1_3-.Ltmp3, $4  }
0x55: {  	v3 =	vld [tilespmem:s17+$0x10];
	[tilespmem:s18+$0x3870 ss:$0x81] =	vst.msk $0xffff, v0  }
0x56: {  	[tilespmem:s18+$0x810 ss:$0x81] =	vst.msk $0xffff, v5;
	v2 =	vld [tilespmem:s17+$0x20]  }
0x57: {  	v1 =	vld [tilespmem:s17+$0xFFFFFFC0];
	[tilespmem:s18+$0x1020 ss:$0x81] =	vst.msk $0xffff, v6;
	s17 =	sadd.s32 $0x80, s17  }
0x58: {  	s21 =	sadd.s32 $0x4, s21;
	v0 =	vld [tilespmem:s17+$0x30];
	[tilespmem:s18+$0x1830 ss:$0x81] =	vst.msk $0xffff, v7  }
.Ltmp4:
0x59: {  	_ = 	snop;
	(pc) =	sbr.rel .LBB1_4-.Ltmp4, $1  }
0x5a: {  	_ =	sdelay $0x3  }
.LBB1_6:
0x5b: {  	_ =	sfence.sel $0x180000  }
0x5c: {  	s2 =	simm.s32 $0x1;
	[bflag:$0x0] =	sbarrier.arrive $0xFFFF  }
0x5d: {  	s31 =	simm.s32 $0x2;
	[sflag:s2] =	ssyncpa.u1 $0x1  }
0x5e: {  	[sflag:s31] =	ssyncpa.u1 $0x1  }
0x5f: {  	p0 =	sne.s32 s0, $0x0;
	_ =	strace $0x9000004A  }
0x60: {  	s0 =	sadd.s32 @!p0 $0x100000, s1;
	[bflag:$0x2] =	sbarrier.arrive $0xFFFF  }
0x61: {  	[sflag:s0] =	ssyncadd.tile.s32 @!p0 $0x1;
	_ =	shalt  }
.Lfunc_end1:
_tile_overlayer_lowered:
.L_overlay_start_2:
0x62: {  	(tag) =	ssettag $0x2  }
0x63: {  	s0 =	rddreg [dreg:$0x0];
	s2 =	stileid.u32  }
0x64: {  	s1 =	rddreg [dreg:$0x1];
	p0 =	sne.s32 s2, $0x0  }
0x65: {  	s3 =	rddreg [dreg:$0x2];
	[bflag:$0x3] =	sbarrier.arrive $0xFFFF;
	s2 =	simm.s32 @!p0 $0x1C01  }
0x66: {  	[timem:s3], [sflag:s2] =	dma.local @!p0 [hbm:s0], s1  }
0x67: {  	s0 =	simm.s32 @!p0 $0x1  }
0x68: {  	_ =	swait.ge @!p0 [sflag:s0], s1  }
0x69: {  	s1 =	ssub.s32 @!p0 $0x0, s1;
	[sflag:s0] =	ssyncset.done @!p0 $0x0  }
0x6a: {  	[sflag:s0] =	ssyncadd.s32 @!p0 s1  }
0x6b: {  	[bflag:$0x3] =	sbarrier.arrive $0xFFFF  }
0x6c: {  	_ =	shalt  }

</sc_bundles>
